<compile_context>
chip_gen: v7x
topology: tpu7x:2x2x1
jax: 0.10.2.dev20260603
libtpu: 0.0.44.dev20260713+nightly
codegen_flags: <defaults>
</compile_context>

<pallas_src>
import functools

import jax
import jax.numpy as jnp
from jax.experimental import pallas as pl
from jax.experimental.pallas import tpu as pltpu
from jax.experimental.pallas import tpu_sc as plsc

K_NB = 64
_NC, _NS = 2, 16
_NW = _NC * _NS


def _sc_gather(table, idx, CH):
    G = idx.shape[0]
    b_per_w = G // _NW
    n_chunks = b_per_w // CH
    mesh = plsc.VectorSubcoreMesh(core_axis_name="c", subcore_axis_name="s")

    @functools.partial(
        pl.kernel, mesh=mesh,
        out_type=jax.ShapeDtypeStruct((G, 128), jnp.float32),
        scratch_types=[
            pltpu.VMEM((CH,), jnp.int32),
            pltpu.VMEM((CH, 128), jnp.float32),
            pltpu.SemaphoreType.DMA,
        ],
    )
    def k(table_hbm, idx_hbm, out_hbm, idx_v, rows_v, sem):
        wid = jax.lax.axis_index("s") * _NC + jax.lax.axis_index("c")
        base = wid * b_per_w

        @pl.loop(0, n_chunks)
        def _chunk(c):
            off = base + c * CH
            pltpu.sync_copy(idx_hbm.at[pl.ds(off, CH)], idx_v)
            pltpu.async_copy(table_hbm.at[idx_v], rows_v, sem).wait()
            pltpu.sync_copy(rows_v, out_hbm.at[pl.ds(off, CH)])

    return k(table, idx)


def _fps_body(pos_ref, psm_ref, cen_ref, *, n_samples, SM, LM):
    px = pos_ref[0, 0]
    py = pos_ref[0, 1]
    pz = pos_ref[0, 2]
    S, L = px.shape
    jj = (jax.lax.broadcasted_iota(jnp.int32, (S, L), 0) * L
          + jax.lax.broadcasted_iota(jnp.int32, (S, L), 1))
    ii = (jax.lax.broadcasted_iota(jnp.int32, (SM, LM), 0) * LM
          + jax.lax.broadcasted_iota(jnp.int32, (SM, LM), 1))
    big = jnp.int32(S * L)

    c0x = px[0, 0]
    c0y = py[0, 0]
    c0z = pz[0, 0]
    dx = px - c0x
    dy = py - c0y
    dz = pz - c0z
    dists = (dx * dx + dy * dy) + dz * dz

    cxa = jnp.where(ii == 0, c0x, 0.0)
    cya = jnp.where(ii == 0, c0y, 0.0)
    cza = jnp.where(ii == 0, c0z, 0.0)

    def body(i, state):
        dists, cxa, cya, cza = state
        m = jnp.max(dists)
        nxt = jnp.min(jnp.where(dists == m, jj, big))
        cx = psm_ref[0, 0, nxt]
        cy = psm_ref[0, 1, nxt]
        cz = psm_ref[0, 2, nxt]
        dx = px - cx
        dy = py - cy
        dz = pz - cz
        d = (dx * dx + dy * dy) + dz * dz
        dists = jnp.minimum(dists, d)
        hit = ii == i
        cxa = jnp.where(hit, cx, cxa)
        cya = jnp.where(hit, cy, cya)
        cza = jnp.where(hit, cz, cza)
        return dists, cxa, cya, cza

    dists, cxa, cya, cza = jax.lax.fori_loop(
        1, n_samples, body, (dists, cxa, cya, cza))
    cen_ref[0, 0] = cxa
    cen_ref[0, 1] = cya
    cen_ref[0, 2] = cza


def _fps(pos, n_samples):
    B, N, _ = pos.shape
    S, L = 8, N // 8
    SM, LM = 8, n_samples // 8
    pos_t = pos.transpose(0, 2, 1).reshape(B, 3, S, L)
    cen = pl.pallas_call(
        functools.partial(_fps_body, n_samples=n_samples, SM=SM, LM=LM),
        grid=(B,),
        in_specs=[
            pl.BlockSpec((1, 3, S, L), lambda b: (b, 0, 0, 0)),
            pl.BlockSpec((1, 3, S * L), lambda b: (b, 0, 0),
                         memory_space=pltpu.SMEM),
        ],
        out_specs=pl.BlockSpec((1, 3, SM, LM), lambda b: (b, 0, 0, 0)),
        out_shape=jax.ShapeDtypeStruct((B, 3, SM, LM), jnp.float32),
        compiler_params=pltpu.CompilerParams(
            dimension_semantics=("parallel",)),
        interpret=False,
    )(pos_t, pos_t.reshape(B, 3, N))
    return cen.reshape(B, 3, n_samples).transpose(0, 2, 1)


def _scores_body(cen_ref, pos_ref, out_ref, *, r2):
    cen = cen_ref[0]
    pos_t = pos_ref[0]
    cn = jnp.sum(cen * cen, axis=1, keepdims=True)
    pn = jnp.sum(pos_t * pos_t, axis=0, keepdims=True)
    cp = jnp.dot(cen, pos_t, preferred_element_type=jnp.float32)
    d2 = (cn + pn) - 2.0 * cp
    out_ref[0] = jnp.where(d2 <= r2, -d2, -jnp.inf)


def _scores(centers, pos, r):
    B, M, _ = centers.shape
    N = pos.shape[1]
    MB = 256
    pos_t = pos.transpose(0, 2, 1)
    return pl.pallas_call(
        functools.partial(_scores_body, r2=r * r),
        grid=(B, M // MB),
        in_specs=[
            pl.BlockSpec((1, MB, 3), lambda b, m: (b, m, 0)),
            pl.BlockSpec((1, 3, N), lambda b, m: (b, 0, 0)),
        ],
        out_specs=pl.BlockSpec((1, MB, N), lambda b, m: (b, m, 0)),
        out_shape=jax.ShapeDtypeStruct((B, M, N), jnp.float32),
        compiler_params=pltpu.CompilerParams(
            dimension_semantics=("parallel", "arbitrary")),
        interpret=False,
    )(centers, pos_t)


def _mlp_body(rows_ref, crep_ref, v_ref, w1f_ref, w1r_ref, b1_ref,
              w2_ref, b2_ref, w3_ref, b3_ref, out_ref, *, MB, Cf):
    rows = rows_ref[0]
    x_j = rows[:, 3:3 + Cf]
    rel = rows[:, 0:3] - crep_ref[0]
    h = jnp.maximum(jnp.dot(x_j, w1f_ref[...],
                            preferred_element_type=jnp.float32)
                    + jnp.dot(rel, w1r_ref[...],
                              preferred_element_type=jnp.float32)
                    + b1_ref[...], 0.0)
    h = jnp.maximum(jnp.dot(h, w2_ref[...],
                            preferred_element_type=jnp.float32)
                    + b2_ref[...], 0.0)
    h = jnp.maximum(jnp.dot(h, w3_ref[...],
                            preferred_element_type=jnp.float32)
                    + b3_ref[...], 0.0)
    C = h.shape[-1]
    v = v_ref[0]
    h = jnp.where(v > 0.0, h, -jnp.inf)
    h = h.reshape(MB, K_NB, C)
    out = jnp.max(h, axis=1)
    out_ref[0] = jnp.where(jnp.isfinite(out), out, 0.0)


def _mlp_pool(rows, crep, valid, Cf, params):
    B, MK, _ = rows.shape
    M = MK // K_NB
    MB = min(M, 128)
    (W1, b1), (W2, b2), (W3, b3) = params
    W1f, W1r = W1[:Cf], W1[Cf:]
    Cout = W3.shape[1]
    vf = valid.astype(jnp.float32).reshape(B, MK, 1)
    wspec = lambda w: pl.BlockSpec(w.shape, lambda b, m: (0,) * w.ndim)
    b1r, b2r, b3r = (b.reshape(1, -1) for b in (b1, b2, b3))
    return pl.pallas_call(
        functools.partial(_mlp_body, MB=MB, Cf=Cf),
        grid=(B, M // MB),
        in_specs=[
            pl.BlockSpec((1, MB * K_NB, 128), lambda b, m: (b, m, 0)),
            pl.BlockSpec((1, MB * K_NB, 3), lambda b, m: (b, m, 0)),
            pl.BlockSpec((1, MB * K_NB, 1), lambda b, m: (b, m, 0)),
            wspec(W1f), wspec(W1r), wspec(b1r),
            wspec(W2), wspec(b2r), wspec(W3), wspec(b3r),
        ],
        out_specs=pl.BlockSpec((1, MB, Cout), lambda b, m: (b, m, 0)),
        out_shape=jax.ShapeDtypeStruct((B, M, Cout), jnp.float32),
        compiler_params=pltpu.CompilerParams(
            dimension_semantics=("parallel", "arbitrary")),
        interpret=False,
    )(rows, crep, vf, W1f, W1r, b1r, W2, b2r, W3, b3r)


def _set_conv(feat, pos, r, M, params):
    B, N, _ = pos.shape
    centers = _fps(pos, M)
    scores = _scores(centers, pos, r)
    vals, nbr = jax.lax.top_k(scores, K_NB)
    valid = vals > -jnp.inf
    Cf = feat.shape[-1]
    table = jnp.concatenate([pos, feat], axis=-1).reshape(B * N, 3 + Cf)
    table = jnp.pad(table, ((0, 0), (0, 128 - (3 + Cf))))
    flat_idx = (nbr + (jnp.arange(B, dtype=jnp.int32) * N)[:, None, None])
    rows = _sc_gather(table, flat_idx.reshape(-1), 512)
    rows = rows.reshape(B, M * K_NB, 128)
    crep = jnp.broadcast_to(centers[:, :, None, :],
                            (B, M, K_NB, 3)).reshape(B, M * K_NB, 3)
    out = _mlp_pool(rows, crep, valid, Cf, params)
    return out, centers


def kernel(x, W1_1, b1_1, W1_2, b1_2, W1_3, b1_3,
           W2_1, b2_1, W2_2, b2_2, W2_3, b2_3):
    B, N, _ = x.shape
    feat = x[:, :, 3:]
    pos = x[:, :, :3]
    params1 = [(W1_1, b1_1), (W1_2, b1_2), (W1_3, b1_3)]
    params2 = [(W2_1, b2_1), (W2_2, b2_2), (W2_3, b2_3)]
    f1, p1 = _set_conv(feat, pos, 0.5, N // 2, params1)
    f2, p2 = _set_conv(f1, p1, 1.0, N // 8, params2)
    M2 = f2.shape[1]
    batch = jnp.repeat(jnp.arange(B, dtype=jnp.int32), M2)
    return (f2.reshape(B * M2, -1), p2.reshape(B * M2, 3), batch)

# --- scband reference (transcript-rebuilt; emitter-appended) ---
"""Pipeline reference for scband-point-feature-net-47150150975686 (READ-ONLY COPY).

The authoritative reference and input builder live on the scoring server;
editing this copy changes nothing except your own understanding.
"""

import jax, jax.numpy as jnp
import numpy as np

K_NEIGHBORS = 64

def fps(pos, n_samples):
    dists = jnp.sum((pos - pos[0]) ** 2, axis=1)
    idx = jnp.zeros((n_samples,), dtype=jnp.int32)
    def body(i, state):
        idx, dists = state
        nxt = jnp.argmax(dists).astype(jnp.int32)
        idx = idx.at[i].set(nxt)
        d = jnp.sum((pos - pos[nxt]) ** 2, axis=1)
        dists = jnp.minimum(dists, d)
        return idx, dists
    idx, _ = jax.lax.fori_loop(1, n_samples, body, (idx, dists))
    return idx

def radius_neighbors(pos, centers, r, k):
    d2 = (jnp.sum(centers ** 2, axis=-1)[:, None]
          + jnp.sum(pos ** 2, axis=-1)[None, :]
          - 2.0 * centers @ pos.T)
    within = d2 <= r * r
    score = jnp.where(within, -d2, -jnp.inf)
    vals, nbr = jax.lax.top_k(score, k)
    valid = vals > -jnp.inf
    return nbr, valid

def mlp_apply(h, params):
    for W, b in params:
        h = jax.nn.relu(h @ W + b)
    return h

def set_conv(feat, pos, r, sample_rate, params):
    N = pos.shape[0]
    M = int(N * sample_rate)
    sg_pos = jax.lax.stop_gradient(pos)
    idx = fps(sg_pos, M)
    centers = pos[idx]
    nbr, valid = radius_neighbors(sg_pos, sg_pos[idx], r, K_NEIGHBORS)
    x_j = feat[nbr]
    rel = pos[nbr] - centers[:, None, :]
    h = jnp.concatenate([x_j, rel], axis=-1)
    h = mlp_apply(h, params)
    h = jnp.where(valid[:, :, None], h, -jnp.inf)
    out = jnp.max(h, axis=1)
    out = jnp.where(jnp.isfinite(out), out, 0.0)
    return out, centers

def setup_inputs(seed: int = 0):
    key = jax.random.key(seed)
    ks = jax.random.split(key, 8)
    B, N, C = 4, 4096, 6
    x = jax.random.uniform(ks[0], (B, N, C), dtype=jnp.float32)
    def lin(k, fan_in, fan_out):
        kw, kb = jax.random.split(k)
        W = jax.random.normal(kw, (fan_in, fan_out), dtype=jnp.float32) * (1.0 / np.sqrt(fan_in))
        b = jax.random.normal(kb, (fan_out,), dtype=jnp.float32) * 0.01
        return W, b
    W1_1, b1_1 = lin(ks[1], 6, 32)
    W1_2, b1_2 = lin(ks[2], 32, 32)
    W1_3, b1_3 = lin(ks[3], 32, 64)
    W2_1, b2_1 = lin(ks[4], 67, 64)
    W2_2, b2_2 = lin(ks[5], 64, 64)
    W2_3, b2_3 = lin(ks[6], 64, 128)
    return {"x": x, "W1_1": W1_1, "b1_1": b1_1, "W1_2": W1_2, "b1_2": b1_2,
            "W1_3": W1_3, "b1_3": b1_3, "W2_1": W2_1, "b2_1": b2_1,
            "W2_2": W2_2, "b2_2": b2_2, "W2_3": W2_3, "b2_3": b2_3}

def reference(x, W1_1, b1_1, W1_2, b1_2, W1_3, b1_3, W2_1, b2_1, W2_2, b2_2, W2_3, b2_3):
    B, N, C = x.shape
    feat = x[:, :, 3:]
    pos = x[:, :, :3]
    params1 = [(W1_1, b1_1), (W1_2, b1_2), (W1_3, b1_3)]
    params2 = [(W2_1, b2_1), (W2_2, b2_2), (W2_3, b2_3)]
    def per_batch(f, p):
        f1, p1 = set_conv(f, p, 0.5, 0.5, params1)
        f2, p2 = set_conv(f1, p1, 1.0, 0.25, params2)
        return f2, p2
    feats, poss = jax.vmap(per_batch)(feat, pos)
    M2 = feats.shape[1]
    batch = jnp.repeat(jnp.arange(B, dtype=jnp.int32), M2)
    return feats.reshape(B * M2, -1), poss.reshape(B * M2, 3), batch

if __name__ == "__main__":
    import jax
    _d = setup_inputs()
    print(jax.jit(kernel)(*tuple(_d.values())))

</pallas_src>

<mosaic_0001>
#map = affine_map<(d0, d1) -> (0, 0)>
#map1 = affine_map<(d0, d1) -> (0)>
module attributes {stable_mosaic.version = 14 : i64} {
  func.func @k(%arg0: i32, %arg1: i32, %arg2: memref<16384x128xf32, #tpu.memory_space<hbm>>, %arg3: memref<524288xi32, #tpu.memory_space<hbm>>, %arg4: memref<524288x128xf32, #tpu.memory_space<hbm>>, %arg5: memref<512xi32, #tpu.memory_space<vmem>>, %arg6: memref<512x128xf32, #tpu.memory_space<vmem>>, %arg7: memref<!tpu.dma_semaphore, #tpu.memory_space<semaphore_mem>>) attributes {dimension_semantics = [#tpu.dimension_semantics<core_parallel>, #tpu.dimension_semantics<subcore_parallel>], iteration_bounds = array<i64: 2, 16>, scalar_prefetch = 0 : i64, scratch_operands = 3 : i64, tpu.core_type = #tpu.core_type<sc_vector_subcore>, window_params = [{transform_indices = #map}, {transform_indices = #map1}, {transform_indices = #map}]} {
    %mul3A = arith.constant 2 : i32
    %mul3A_0 = arith.muli %arg1, %mul3A : i32
    %add3A = arith.addi %mul3A_0, %arg0 : i32
    %mul3A_1 = arith.constant 16384 : i32
    %mul3A_2 = arith.muli %add3A, %mul3A_1 : i32
    %scan3A = arith.constant 0 : i32
    %scan3A_3 = arith.constant 32 : i32
    %scan3A_4 = arith.addi %scan3A, %scan3A_3 : i32
    %scan3A_5 = arith.constant 1 : i32
    scf.for %scan3A_7 = %scan3A to %scan3A_4 step %scan3A_5  : i32 {
      %mul3A_8 = arith.constant 1 : i32
      %mul3A_9 = arith.muli %scan3A_7, %mul3A_8 : i32
      %add3A_10 = arith.constant 0 : i32
      %add3A_11 = arith.addi %add3A_10, %mul3A_9 : i32
      %mul3A_12 = arith.constant 512 : i32
      %mul3A_13 = arith.muli %add3A_11, %mul3A_12 : i32
      %add3A_14 = arith.addi %mul3A_2, %mul3A_13 : i32
      "tpu.region"() ({
        %run_scoped3A = tpu.sem_alloc : memref<!tpu.dma_semaphore, #tpu.memory_space<semaphore_mem>>
        %dma_start3A_19 = tpu.memref_slice %arg3[%add3A_14] : memref<524288xi32, #tpu.memory_space<hbm>> -> memref<512xi32, #tpu.memory_space<hbm>>
        %dma_start3A_20 = tpu.memref_slice %arg3[%add3A_14] : memref<524288xi32, #tpu.memory_space<hbm>> -> memref<512xi32, #tpu.memory_space<hbm>>
        tpu.enqueue_dma source(%dma_start3A_20 : memref<512xi32, #tpu.memory_space<hbm>>) target(%arg5 : memref<512xi32, #tpu.memory_space<vmem>>) target_semaphore(%run_scoped3A : memref<!tpu.dma_semaphore, #tpu.memory_space<semaphore_mem>>)
        %dma_wait3A_21 = tpu.memref_slice %arg3[%add3A_14] : memref<524288xi32, #tpu.memory_space<hbm>> -> memref<512xi32, #tpu.memory_space<hbm>>
        %dma_wait3A_22 = tpu.memref_slice %arg3[%add3A_14] : memref<524288xi32, #tpu.memory_space<hbm>> -> memref<512xi32, #tpu.memory_space<hbm>>
        tpu.wait_dma2 semaphore(%run_scoped3A : memref<!tpu.dma_semaphore, #tpu.memory_space<semaphore_mem>>) src(%dma_wait3A_22 : memref<512xi32, #tpu.memory_space<hbm>>) dst(%arg5 : memref<512xi32, #tpu.memory_space<vmem>>)
        tpu.yield
      }) : () -> ()
      %dma_start3A = arith.constant 0 : i32
      %dma_start3A_15 = arith.constant 0 : i32
      %dma_start3A_16 = tpu.memref_slice %arg2[%dma_start3A, %dma_start3A_15] : memref<16384x128xf32, #tpu.memory_space<hbm>> -> memref<16384x128xf32, #tpu.memory_space<hbm>>
      tpu.enqueue_indirect_dma source(%dma_start3A_16 : memref<16384x128xf32, #tpu.memory_space<hbm>>) target(%arg6 : memref<512x128xf32, #tpu.memory_space<vmem>>) offsets(%arg5 : memref<512xi32, #tpu.memory_space<vmem>>) semaphore(%arg7 : memref<!tpu.dma_semaphore, #tpu.memory_space<semaphore_mem>>)
      %dma_wait3A = arith.constant 0 : i32
      %dma_wait3A_17 = arith.constant 0 : i32
      %dma_wait3A_18 = tpu.memref_slice %arg2[%dma_wait3A, %dma_wait3A_17] : memref<16384x128xf32, #tpu.memory_space<hbm>> -> memref<16384x128xf32, #tpu.memory_space<hbm>>
      tpu.wait_indirect_dma semaphore(%arg7 : memref<!tpu.dma_semaphore, #tpu.memory_space<semaphore_mem>>) src(%dma_wait3A_18 : memref<16384x128xf32, #tpu.memory_space<hbm>>) dst(%arg6 : memref<512x128xf32, #tpu.memory_space<vmem>>)
      "tpu.region"() ({
        %run_scoped3A = tpu.sem_alloc : memref<!tpu.dma_semaphore, #tpu.memory_space<semaphore_mem>>
        %dma_start3A_19 = arith.constant 0 : i32
        %dma_start3A_20 = tpu.memref_slice %arg4[%add3A_14, %dma_start3A_19] : memref<524288x128xf32, #tpu.memory_space<hbm>> -> memref<512x128xf32, #tpu.memory_space<hbm>>
        %dma_start3A_21 = arith.constant 0 : i32
        %dma_start3A_22 = tpu.memref_slice %arg4[%add3A_14, %dma_start3A_21] : memref<524288x128xf32, #tpu.memory_space<hbm>> -> memref<512x128xf32, #tpu.memory_space<hbm>>
        tpu.enqueue_dma source(%arg6 : memref<512x128xf32, #tpu.memory_space<vmem>>) target(%dma_start3A_22 : memref<512x128xf32, #tpu.memory_space<hbm>>) target_semaphore(%run_scoped3A : memref<!tpu.dma_semaphore, #tpu.memory_space<semaphore_mem>>)
        %dma_wait3A_23 = arith.constant 0 : i32
        %dma_wait3A_24 = tpu.memref_slice %arg4[%add3A_14, %dma_wait3A_23] : memref<524288x128xf32, #tpu.memory_space<hbm>> -> memref<512x128xf32, #tpu.memory_space<hbm>>
        %dma_wait3A_25 = arith.constant 0 : i32
        %dma_wait3A_26 = tpu.memref_slice %arg4[%add3A_14, %dma_wait3A_25] : memref<524288x128xf32, #tpu.memory_space<hbm>> -> memref<512x128xf32, #tpu.memory_space<hbm>>
        tpu.wait_dma2 semaphore(%run_scoped3A : memref<!tpu.dma_semaphore, #tpu.memory_space<semaphore_mem>>) src(%arg6 : memref<512x128xf32, #tpu.memory_space<vmem>>) dst(%dma_wait3A_26 : memref<512x128xf32, #tpu.memory_space<hbm>>)
        tpu.yield
      }) : () -> ()
    }
    %scan3A_6 = arith.constant 32 : i32
    return
  }
}

#map = affine_map<(d0, d1) -> (0, 0)>
#map1 = affine_map<(d0, d1) -> (0)>
module attributes {stable_mosaic.version = 14 : i64} {
  func.func @k(%arg0: i32, %arg1: i32, %arg2: memref<8192x128xf32, #tpu.memory_space<hbm>>, %arg3: memref<131072xi32, #tpu.memory_space<hbm>>, %arg4: memref<131072x128xf32, #tpu.memory_space<hbm>>, %arg5: memref<512xi32, #tpu.memory_space<vmem>>, %arg6: memref<512x128xf32, #tpu.memory_space<vmem>>, %arg7: memref<!tpu.dma_semaphore, #tpu.memory_space<semaphore_mem>>) attributes {dimension_semantics = [#tpu.dimension_semantics<core_parallel>, #tpu.dimension_semantics<subcore_parallel>], iteration_bounds = array<i64: 2, 16>, scalar_prefetch = 0 : i64, scratch_operands = 3 : i64, tpu.core_type = #tpu.core_type<sc_vector_subcore>, window_params = [{transform_indices = #map}, {transform_indices = #map1}, {transform_indices = #map}]} {
    %mul3A = arith.constant 2 : i32
    %mul3A_0 = arith.muli %arg1, %mul3A : i32
    %add3A = arith.addi %mul3A_0, %arg0 : i32
    %mul3A_1 = arith.constant 4096 : i32
    %mul3A_2 = arith.muli %add3A, %mul3A_1 : i32
    %scan3A = arith.constant 0 : i32
    %scan3A_3 = arith.constant 8 : i32
    %scan3A_4 = arith.addi %scan3A, %scan3A_3 : i32
    %scan3A_5 = arith.constant 1 : i32
    scf.for %scan3A_7 = %scan3A to %scan3A_4 step %scan3A_5  : i32 {
      %mul3A_8 = arith.constant 1 : i32
      %mul3A_9 = arith.muli %scan3A_7, %mul3A_8 : i32
      %add3A_10 = arith.constant 0 : i32
      %add3A_11 = arith.addi %add3A_10, %mul3A_9 : i32
      %mul3A_12 = arith.constant 512 : i32
      %mul3A_13 = arith.muli %add3A_11, %mul3A_12 : i32
      %add3A_14 = arith.addi %mul3A_2, %mul3A_13 : i32
      "tpu.region"() ({
        %run_scoped3A = tpu.sem_alloc : memref<!tpu.dma_semaphore, #tpu.memory_space<semaphore_mem>>
        %dma_start3A_19 = tpu.memref_slice %arg3[%add3A_14] : memref<131072xi32, #tpu.memory_space<hbm>> -> memref<512xi32, #tpu.memory_space<hbm>>
        %dma_start3A_20 = tpu.memref_slice %arg3[%add3A_14] : memref<131072xi32, #tpu.memory_space<hbm>> -> memref<512xi32, #tpu.memory_space<hbm>>
        tpu.enqueue_dma source(%dma_start3A_20 : memref<512xi32, #tpu.memory_space<hbm>>) target(%arg5 : memref<512xi32, #tpu.memory_space<vmem>>) target_semaphore(%run_scoped3A : memref<!tpu.dma_semaphore, #tpu.memory_space<semaphore_mem>>)
        %dma_wait3A_21 = tpu.memref_slice %arg3[%add3A_14] : memref<131072xi32, #tpu.memory_space<hbm>> -> memref<512xi32, #tpu.memory_space<hbm>>
        %dma_wait3A_22 = tpu.memref_slice %arg3[%add3A_14] : memref<131072xi32, #tpu.memory_space<hbm>> -> memref<512xi32, #tpu.memory_space<hbm>>
        tpu.wait_dma2 semaphore(%run_scoped3A : memref<!tpu.dma_semaphore, #tpu.memory_space<semaphore_mem>>) src(%dma_wait3A_22 : memref<512xi32, #tpu.memory_space<hbm>>) dst(%arg5 : memref<512xi32, #tpu.memory_space<vmem>>)
        tpu.yield
      }) : () -> ()
      %dma_start3A = arith.constant 0 : i32
      %dma_start3A_15 = arith.constant 0 : i32
      %dma_start3A_16 = tpu.memref_slice %arg2[%dma_start3A, %dma_start3A_15] : memref<8192x128xf32, #tpu.memory_space<hbm>> -> memref<8192x128xf32, #tpu.memory_space<hbm>>
      tpu.enqueue_indirect_dma source(%dma_start3A_16 : memref<8192x128xf32, #tpu.memory_space<hbm>>) target(%arg6 : memref<512x128xf32, #tpu.memory_space<vmem>>) offsets(%arg5 : memref<512xi32, #tpu.memory_space<vmem>>) semaphore(%arg7 : memref<!tpu.dma_semaphore, #tpu.memory_space<semaphore_mem>>)
      %dma_wait3A = arith.constant 0 : i32
      %dma_wait3A_17 = arith.constant 0 : i32
      %dma_wait3A_18 = tpu.memref_slice %arg2[%dma_wait3A, %dma_wait3A_17] : memref<8192x128xf32, #tpu.memory_space<hbm>> -> memref<8192x128xf32, #tpu.memory_space<hbm>>
      tpu.wait_indirect_dma semaphore(%arg7 : memref<!tpu.dma_semaphore, #tpu.memory_space<semaphore_mem>>) src(%dma_wait3A_18 : memref<8192x128xf32, #tpu.memory_space<hbm>>) dst(%arg6 : memref<512x128xf32, #tpu.memory_space<vmem>>)
      "tpu.region"() ({
        %run_scoped3A = tpu.sem_alloc : memref<!tpu.dma_semaphore, #tpu.memory_space<semaphore_mem>>
        %dma_start3A_19 = arith.constant 0 : i32
        %dma_start3A_20 = tpu.memref_slice %arg4[%add3A_14, %dma_start3A_19] : memref<131072x128xf32, #tpu.memory_space<hbm>> -> memref<512x128xf32, #tpu.memory_space<hbm>>
        %dma_start3A_21 = arith.constant 0 : i32
        %dma_start3A_22 = tpu.memref_slice %arg4[%add3A_14, %dma_start3A_21] : memref<131072x128xf32, #tpu.memory_space<hbm>> -> memref<512x128xf32, #tpu.memory_space<hbm>>
        tpu.enqueue_dma source(%arg6 : memref<512x128xf32, #tpu.memory_space<vmem>>) target(%dma_start3A_22 : memref<512x128xf32, #tpu.memory_space<hbm>>) target_semaphore(%run_scoped3A : memref<!tpu.dma_semaphore, #tpu.memory_space<semaphore_mem>>)
        %dma_wait3A_23 = arith.constant 0 : i32
        %dma_wait3A_24 = tpu.memref_slice %arg4[%add3A_14, %dma_wait3A_23] : memref<131072x128xf32, #tpu.memory_space<hbm>> -> memref<512x128xf32, #tpu.memory_space<hbm>>
        %dma_wait3A_25 = arith.constant 0 : i32
        %dma_wait3A_26 = tpu.memref_slice %arg4[%add3A_14, %dma_wait3A_25] : memref<131072x128xf32, #tpu.memory_space<hbm>> -> memref<512x128xf32, #tpu.memory_space<hbm>>
        tpu.wait_dma2 semaphore(%run_scoped3A : memref<!tpu.dma_semaphore, #tpu.memory_space<semaphore_mem>>) src(%arg6 : memref<512x128xf32, #tpu.memory_space<vmem>>) dst(%dma_wait3A_26 : memref<512x128xf32, #tpu.memory_space<hbm>>)
        tpu.yield
      }) : () -> ()
    }
    %scan3A_6 = arith.constant 8 : i32
    return
  }
}

module attributes {stable_mosaic.version = 14 : i64} {
  func.func @_fps_body(%arg0: i32, %arg1: memref<1x3x8x512xf32, #tpu.memory_space<vmem>>, %arg2: memref<1x3x4096xf32, #tpu.memory_space<smem>>, %arg3: memref<1x3x8x256xf32, #tpu.memory_space<vmem>>) attributes {dimension_semantics = [#tpu.dimension_semantics<parallel>], iteration_bounds = array<i64: 4>, scalar_prefetch = 0 : i64, scratch_operands = 0 : i64, tpu.core_type = #tpu.core_type<tc>, window_params = [{transform_indices = @transform_0, window_bounds = array<i64: 1, 3, 8, 512>}, {transform_indices = @transform_1, window_bounds = array<i64: 1, 3, 4096>}, {transform_indices = @transform_2, window_bounds = array<i64: 1, 3, 8, 256>}]} {
    %get3A = arith.constant 0 : index
    %get3A_0 = arith.constant 0 : index
    %get3A_1 = arith.constant 0 : index
    %get3A_2 = arith.constant 0 : index
    %get3A_3 = vector.load %arg1[%get3A, %get3A_0, %get3A_1, %get3A_2] : memref<1x3x8x512xf32, #tpu.memory_space<vmem>>, vector<1x1x8x512xf32>
    %get3A_4 = vector.shape_cast %get3A_3 : vector<1x1x8x512xf32> to vector<8x512xf32>
    %get3A_5 = arith.constant 0 : index
    %get3A_6 = arith.constant 1 : index
    %get3A_7 = arith.constant 0 : index
    %get3A_8 = arith.constant 0 : index
    %get3A_9 = vector.load %arg1[%get3A_5, %get3A_6, %get3A_7, %get3A_8] : memref<1x3x8x512xf32, #tpu.memory_space<vmem>>, vector<1x1x8x512xf32>
    %get3A_10 = vector.shape_cast %get3A_9 : vector<1x1x8x512xf32> to vector<8x512xf32>
    %get3A_11 = arith.constant 0 : index
    %get3A_12 = arith.constant 2 : index
    %get3A_13 = arith.constant 0 : index
    %get3A_14 = arith.constant 0 : index
    %get3A_15 = vector.load %arg1[%get3A_11, %get3A_12, %get3A_13, %get3A_14] : memref<1x3x8x512xf32, #tpu.memory_space<vmem>>, vector<1x1x8x512xf32>
    %get3A_16 = vector.shape_cast %get3A_15 : vector<1x1x8x512xf32> to vector<8x512xf32>
    %iota3A = tpu.iota {dimensions = array<i32: 0>} : vector<8x512xi32>
    %mul3A = arith.constant 512 : i32
    %mul3A_17 = vector.broadcast %mul3A : i32 to vector<8x512xi32>
    %mul3A_18 = arith.muli %iota3A, %mul3A_17 : vector<8x512xi32>
    %iota3A_19 = tpu.iota {dimensions = array<i32: 1>} : vector<8x512xi32>
    %add3A = arith.addi %mul3A_18, %iota3A_19 : vector<8x512xi32>
    %iota3A_20 = tpu.iota {dimensions = array<i32: 0>} : vector<8x256xi32>
    %mul3A_21 = arith.constant 256 : i32
    %mul3A_22 = vector.broadcast %mul3A_21 : i32 to vector<8x256xi32>
    %mul3A_23 = arith.muli %iota3A_20, %mul3A_22 : vector<8x256xi32>
    %iota3A_24 = tpu.iota {dimensions = array<i32: 1>} : vector<8x256xi32>
    %add3A_25 = arith.addi %mul3A_23, %iota3A_24 : vector<8x256xi32>
    %slice3A = vector.extract_strided_slice %get3A_4 {offsets = [0, 0], sizes = [1, 1], strides = [1, 1]} : vector<8x512xf32> to vector<1x1xf32>
    %squeeze3A = vector.extract %slice3A[0, 0] : f32 from vector<1x1xf32>
    %slice3A_26 = vector.extract_strided_slice %get3A_10 {offsets = [0, 0], sizes = [1, 1], strides = [1, 1]} : vector<8x512xf32> to vector<1x1xf32>
    %squeeze3A_27 = vector.extract %slice3A_26[0, 0] : f32 from vector<1x1xf32>
    %slice3A_28 = vector.extract_strided_slice %get3A_16 {offsets = [0, 0], sizes = [1, 1], strides = [1, 1]} : vector<8x512xf32> to vector<1x1xf32>
    %squeeze3A_29 = vector.extract %slice3A_28[0, 0] : f32 from vector<1x1xf32>
    %sub3A = vector.broadcast %squeeze3A : f32 to vector<8x512xf32>
    %sub3A_30 = arith.subf %get3A_4, %sub3A : vector<8x512xf32>
    %sub3A_31 = vector.broadcast %squeeze3A_27 : f32 to vector<8x512xf32>
    %sub3A_32 = arith.subf %get3A_10, %sub3A_31 : vector<8x512xf32>
    %sub3A_33 = vector.broadcast %squeeze3A_29 : f32 to vector<8x512xf32>
    %sub3A_34 = arith.subf %get3A_16, %sub3A_33 : vector<8x512xf32>
    %mul3A_35 = arith.mulf %sub3A_30, %sub3A_30 : vector<8x512xf32>
    %mul3A_36 = arith.mulf %sub3A_32, %sub3A_32 : vector<8x512xf32>
    %add3A_37 = arith.addf %mul3A_35, %mul3A_36 : vector<8x512xf32>
    %mul3A_38 = arith.mulf %sub3A_34, %sub3A_34 : vector<8x512xf32>
    %add3A_39 = arith.addf %add3A_37, %mul3A_38 : vector<8x512xf32>
    %eq3A = arith.constant 0 : i32
    %eq3A_40 = vector.broadcast %eq3A : i32 to vector<8x256xi32>
    %eq3A_41 = arith.cmpi eq, %add3A_25, %eq3A_40 : vector<8x256xi32>
    %jit3A = arith.constant 0.000000e+00 : f32
    %broadcast_in_dim3A = vector.broadcast %squeeze3A : f32 to vector<8x256xf32>
    %broadcast_in_dim3A_42 = vector.broadcast %jit3A : f32 to vector<8x256xf32>
    %select_n3A = arith.select %eq3A_41, %broadcast_in_dim3A, %broadcast_in_dim3A_42 : vector<8x256xi1>, vector<8x256xf32>
    %eq3A_43 = arith.constant 0 : i32
    %eq3A_44 = vector.broadcast %eq3A_43 : i32 to vector<8x256xi32>
    %eq3A_45 = arith.cmpi eq, %add3A_25, %eq3A_44 : vector<8x256xi32>
    %jit3A_46 = arith.constant 0.000000e+00 : f32
    %broadcast_in_dim3A_47 = vector.broadcast %squeeze3A_27 : f32 to vector<8x256xf32>
    %broadcast_in_dim3A_48 = vector.broadcast %jit3A_46 : f32 to vector<8x256xf32>
    %select_n3A_49 = arith.select %eq3A_45, %broadcast_in_dim3A_47, %broadcast_in_dim3A_48 : vector<8x256xi1>, vector<8x256xf32>
    %eq3A_50 = arith.constant 0 : i32
    %eq3A_51 = vector.broadcast %eq3A_50 : i32 to vector<8x256xi32>
    %eq3A_52 = arith.cmpi eq, %add3A_25, %eq3A_51 : vector<8x256xi32>
    %jit3A_53 = arith.constant 0.000000e+00 : f32
    %broadcast_in_dim3A_54 = vector.broadcast %squeeze3A_29 : f32 to vector<8x256xf32>
    %broadcast_in_dim3A_55 = vector.broadcast %jit3A_53 : f32 to vector<8x256xf32>
    %select_n3A_56 = arith.select %eq3A_52, %broadcast_in_dim3A_54, %broadcast_in_dim3A_55 : vector<8x256xi1>, vector<8x256xf32>
    %scan3A = arith.constant 4096 : i32
    %scan3A_57 = arith.constant 1 : i32
    %scan3A_58 = arith.constant 2047 : i32
    %scan3A_59 = arith.addi %scan3A_57, %scan3A_58 : i32
    %scan3A_60 = arith.constant 1 : i32
    %scan3A_61:4 = scf.for %scan3A_83 = %scan3A_57 to %scan3A_59 step %scan3A_60 iter_args(%scan3A_84 = %add3A_39, %scan3A_85 = %select_n3A, %scan3A_86 = %select_n3A_49, %scan3A_87 = %select_n3A_56) -> (vector<8x512xf32>, vector<8x256xf32>, vector<8x256xf32>, vector<8x256xf32>)  : i32 {
      %reduce_max3A = vector.shape_cast %scan3A_84 : vector<8x512xf32> to vector<1x8x512xf32>
      %reduce_max3A_88 = arith.constant dense<0xFF800000> : vector<1xf32>
      %reduce_max3A_89 = vector.multi_reduction <maximumf>, %reduce_max3A, %reduce_max3A_88 [1, 2] : vector<1x8x512xf32> to vector<1xf32>
      %reduce_max3A_90 = vector.shape_cast %reduce_max3A_89 : vector<1xf32> to vector<1x1x1xf32>
      %reduce_max3A_91 = vector.extract %reduce_max3A_90[0, 0, 0] : f32 from vector<1x1x1xf32>
      %eq3A_92 = vector.broadcast %reduce_max3A_91 : f32 to vector<8x512xf32>
      %eq3A_93 = arith.cmpf oeq, %scan3A_84, %eq3A_92 : vector<8x512xf32>
      %broadcast_in_dim3A_94 = vector.broadcast %scan3A : i32 to vector<8x512xi32>
      %select_n3A_95 = arith.select %eq3A_93, %add3A, %broadcast_in_dim3A_94 : vector<8x512xi1>, vector<8x512xi32>
      %reduce_min3A = vector.shape_cast %select_n3A_95 : vector<8x512xi32> to vector<1x8x512xi32>
      %reduce_min3A_96 = arith.constant dense<2147483647> : vector<1xi32>
      %reduce_min3A_97 = vector.multi_reduction <minsi>, %reduce_min3A, %reduce_min3A_96 [1, 2] : vector<1x8x512xi32> to vector<1xi32>
      %reduce_min3A_98 = vector.shape_cast %reduce_min3A_97 : vector<1xi32> to vector<1x1x1xi32>
      %reduce_min3A_99 = vector.extract %reduce_min3A_98[0, 0, 0] : i32 from vector<1x1x1xi32>
      %get3A_100 = arith.constant 0 : index
      %get3A_101 = arith.constant 0 : index
      %get3A_102 = arith.index_cast %reduce_min3A_99 : i32 to index
      %get3A_103 = memref.load %arg2[%get3A_100, %get3A_101, %get3A_102] : memref<1x3x4096xf32, #tpu.memory_space<smem>>
      %get3A_104 = arith.constant 0 : index
      %get3A_105 = arith.constant 1 : index
      %get3A_106 = arith.index_cast %reduce_min3A_99 : i32 to index
      %get3A_107 = memref.load %arg2[%get3A_104, %get3A_105, %get3A_106] : memref<1x3x4096xf32, #tpu.memory_space<smem>>
      %get3A_108 = arith.constant 0 : index
      %get3A_109 = arith.constant 2 : index
      %get3A_110 = arith.index_cast %reduce_min3A_99 : i32 to index
      %get3A_111 = memref.load %arg2[%get3A_108, %get3A_109, %get3A_110] : memref<1x3x4096xf32, #tpu.memory_space<smem>>
      %sub3A_112 = vector.broadcast %get3A_103 : f32 to vector<8x512xf32>
      %sub3A_113 = arith.subf %get3A_4, %sub3A_112 : vector<8x512xf32>
      %sub3A_114 = vector.broadcast %get3A_107 : f32 to vector<8x512xf32>
      %sub3A_115 = arith.subf %get3A_10, %sub3A_114 : vector<8x512xf32>
      %sub3A_116 = vector.broadcast %get3A_111 : f32 to vector<8x512xf32>
      %sub3A_117 = arith.subf %get3A_16, %sub3A_116 : vector<8x512xf32>
      %mul3A_118 = arith.mulf %sub3A_113, %sub3A_113 : vector<8x512xf32>
      %mul3A_119 = arith.mulf %sub3A_115, %sub3A_115 : vector<8x512xf32>
      %add3A_120 = arith.addf %mul3A_118, %mul3A_119 : vector<8x512xf32>
      %mul3A_121 = arith.mulf %sub3A_117, %sub3A_117 : vector<8x512xf32>
      %add3A_122 = arith.addf %add3A_120, %mul3A_121 : vector<8x512xf32>
      %min3A = arith.minimumf %scan3A_84, %add3A_122 : vector<8x512xf32>
      %eq3A_123 = vector.broadcast %scan3A_83 : i32 to vector<8x256xi32>
      %eq3A_124 = arith.cmpi eq, %add3A_25, %eq3A_123 : vector<8x256xi32>
      %broadcast_in_dim3A_125 = vector.broadcast %get3A_103 : f32 to vector<8x256xf32>
      %select_n3A_126 = arith.select %eq3A_124, %broadcast_in_dim3A_125, %scan3A_85 : vector<8x256xi1>, vector<8x256xf32>
      %broadcast_in_dim3A_127 = vector.broadcast %get3A_107 : f32 to vector<8x256xf32>
      %select_n3A_128 = arith.select %eq3A_124, %broadcast_in_dim3A_127, %scan3A_86 : vector<8x256xi1>, vector<8x256xf32>
      %broadcast_in_dim3A_129 = vector.broadcast %get3A_111 : f32 to vector<8x256xf32>
      %select_n3A_130 = arith.select %eq3A_124, %broadcast_in_dim3A_129, %scan3A_87 : vector<8x256xi1>, vector<8x256xf32>
      scf.yield %min3A, %select_n3A_126, %select_n3A_128, %select_n3A_130 : vector<8x512xf32>, vector<8x256xf32>, vector<8x256xf32>, vector<8x256xf32>
    }
    %scan3A_62 = arith.constant 2047 : i32
    %swap3A = arith.constant 0 : index
    %swap3A_63 = arith.constant 0 : index
    %swap3A_64 = arith.constant 0 : index
    %swap3A_65 = arith.constant 0 : index
    %swap3A_66 = vector.load %arg3[%swap3A, %swap3A_63, %swap3A_64, %swap3A_65] : memref<1x3x8x256xf32, #tpu.memory_space<vmem>>, vector<1x1x8x256xf32>
    %swap3A_67 = vector.shape_cast %swap3A_66 : vector<1x1x8x256xf32> to vector<8x256xf32>
    %swap3A_68 = vector.shape_cast %scan3A_61#1 : vector<8x256xf32> to vector<1x1x8x256xf32>
    tpu.vector_store %arg3[%swap3A, %swap3A_63, %swap3A_64, %swap3A_65], %swap3A_68 {strides = array<i32>} : memref<1x3x8x256xf32, #tpu.memory_space<vmem>>, vector<1x1x8x256xf32>,
    %swap3A_69 = arith.constant 0 : index
    %swap3A_70 = arith.constant 1 : index
    %swap3A_71 = arith.constant 0 : index
    %swap3A_72 = arith.constant 0 : index
    %swap3A_73 = vector.load %arg3[%swap3A_69, %swap3A_70, %swap3A_71, %swap3A_72] : memref<1x3x8x256xf32, #tpu.memory_space<vmem>>, vector<1x1x8x256xf32>
    %swap3A_74 = vector.shape_cast %swap3A_73 : vector<1x1x8x256xf32> to vector<8x256xf32>
    %swap3A_75 = vector.shape_cast %scan3A_61#2 : vector<8x256xf32> to vector<1x1x8x256xf32>
    tpu.vector_store %arg3[%swap3A_69, %swap3A_70, %swap3A_71, %swap3A_72], %swap3A_75 {strides = array<i32>} : memref<1x3x8x256xf32, #tpu.memory_space<vmem>>, vector<1x1x8x256xf32>,
    %swap3A_76 = arith.constant 0 : index
    %swap3A_77 = arith.constant 2 : index
    %swap3A_78 = arith.constant 0 : index
    %swap3A_79 = arith.constant 0 : index
    %swap3A_80 = vector.load %arg3[%swap3A_76, %swap3A_77, %swap3A_78, %swap3A_79] : memref<1x3x8x256xf32, #tpu.memory_space<vmem>>, vector<1x1x8x256xf32>
    %swap3A_81 = vector.shape_cast %swap3A_80 : vector<1x1x8x256xf32> to vector<8x256xf32>
    %swap3A_82 = vector.shape_cast %scan3A_61#3 : vector<8x256xf32> to vector<1x1x8x256xf32>
    tpu.vector_store %arg3[%swap3A_76, %swap3A_77, %swap3A_78, %swap3A_79], %swap3A_82 {strides = array<i32>} : memref<1x3x8x256xf32, #tpu.memory_space<vmem>>, vector<1x1x8x256xf32>,
    return
  }
  func.func @transform_0(%arg0: i32) -> (i32, i32, i32, i32) {
    %c0_i32 = arith.constant 0 : i32
    %c0_i32_0 = arith.constant 0 : i32
    %c0_i32_1 = arith.constant 0 : i32
    %c0_i32_2 = arith.constant 0 : i32
    return %arg0, %c0_i32, %c0_i32_0, %c0_i32_1 : i32, i32, i32, i32
  }
  func.func @transform_1(%arg0: i32) -> (i32, i32, i32) {
    %c0_i32 = arith.constant 0 : i32
    %c0_i32_0 = arith.constant 0 : i32
    %c0_i32_1 = arith.constant 0 : i32
    return %arg0, %c0_i32, %c0_i32_0 : i32, i32, i32
  }
  func.func @transform_2(%arg0: i32) -> (i32, i32, i32, i32) {
    %c0_i32 = arith.constant 0 : i32
    %c0_i32_0 = arith.constant 0 : i32
    %c0_i32_1 = arith.constant 0 : i32
    %c0_i32_2 = arith.constant 0 : i32
    return %arg0, %c0_i32, %c0_i32_0, %c0_i32_1 : i32, i32, i32, i32
  }
}

module attributes {stable_mosaic.version = 14 : i64} {
  func.func @_scores_body(%arg0: i32, %arg1: i32, %arg2: memref<1x256x3xf32, #tpu.memory_space<vmem>>, %arg3: memref<1x3x4096xf32, #tpu.memory_space<vmem>>, %arg4: memref<1x256x4096xf32, #tpu.memory_space<vmem>>) attributes {dimension_semantics = [#tpu.dimension_semantics<parallel>, #tpu.dimension_semantics<arbitrary>], iteration_bounds = array<i64: 4, 8>, scalar_prefetch = 0 : i64, scratch_operands = 0 : i64, tpu.core_type = #tpu.core_type<tc>, window_params = [{transform_indices = @transform_0, window_bounds = array<i64: 1, 256, 3>}, {transform_indices = @transform_1, window_bounds = array<i64: 1, 3, 4096>}, {transform_indices = @transform_2, window_bounds = array<i64: 1, 256, 4096>}]} {
    %get3A = arith.constant 0 : index
    %get3A_0 = arith.constant 0 : index
    %get3A_1 = arith.constant 0 : index
    %get3A_2 = vector.load %arg2[%get3A, %get3A_0, %get3A_1] : memref<1x256x3xf32, #tpu.memory_space<vmem>>, vector<1x256x3xf32>
    %get3A_3 = vector.shape_cast %get3A_2 : vector<1x256x3xf32> to vector<256x3xf32>
    %get3A_4 = arith.constant 0 : index
    %get3A_5 = arith.constant 0 : index
    %get3A_6 = arith.constant 0 : index
    %get3A_7 = vector.load %arg3[%get3A_4, %get3A_5, %get3A_6] : memref<1x3x4096xf32, #tpu.memory_space<vmem>>, vector<1x3x4096xf32>
    %get3A_8 = vector.shape_cast %get3A_7 : vector<1x3x4096xf32> to vector<3x4096xf32>
    %mul3A = arith.mulf %get3A_3, %get3A_3 : vector<256x3xf32>
    %reduce_sum3A = arith.constant dense<0.000000e+00> : vector<256xf32>
    %reduce_sum3A_9 = vector.multi_reduction <add>, %mul3A, %reduce_sum3A [1] : vector<256x3xf32> to vector<256xf32>
    %broadcast_in_dim3A = vector.shape_cast %reduce_sum3A_9 : vector<256xf32> to vector<256x1xf32>
    %mul3A_10 = arith.mulf %get3A_8, %get3A_8 : vector<3x4096xf32>
    %reduce_sum3A_11 = arith.constant dense<0.000000e+00> : vector<4096xf32>
    %reduce_sum3A_12 = vector.multi_reduction <add>, %mul3A_10, %reduce_sum3A_11 [0] : vector<3x4096xf32> to vector<4096xf32>
    %broadcast_in_dim3A_13 = vector.shape_cast %reduce_sum3A_12 : vector<4096xf32> to vector<1x4096xf32>
    %dot_general3A = arith.constant dense<0.000000e+00> : vector<256x4096xf32>
    %dot_general3A_14 = tpu.matmul %get3A_3, %get3A_8, %dot_general3A {dimension_numbers = #tpu.dot_dimension_numbers<[1], [0], [0], [1], [0, 0, 1, 1], [], []>, transpose_lhs_hint = false} : vector<256x3xf32>, vector<3x4096xf32>, vector<256x4096xf32> -> vector<256x4096xf32>
    %add3A = vector.broadcast %broadcast_in_dim3A : vector<256x1xf32> to vector<256x4096xf32>
    %add3A_15 = vector.broadcast %broadcast_in_dim3A_13 : vector<1x4096xf32> to vector<256x4096xf32>
    %add3A_16 = arith.addf %add3A, %add3A_15 : vector<256x4096xf32>
    %mul3A_17 = arith.constant 2.000000e+00 : f32
    %mul3A_18 = vector.broadcast %mul3A_17 : f32 to vector<256x4096xf32>
    %mul3A_19 = arith.mulf %mul3A_18, %dot_general3A_14 : vector<256x4096xf32>
    %sub3A = arith.subf %add3A_16, %mul3A_19 : vector<256x4096xf32>
    %le3A = arith.constant 2.500000e-01 : f32
    %le3A_20 = vector.broadcast %le3A : f32 to vector<256x4096xf32>
    %le3A_21 = arith.cmpf ole, %sub3A, %le3A_20 : vector<256x4096xf32>
    %neg3A = arith.constant 0.000000e+00 : f32
    %neg3A_22 = vector.broadcast %neg3A : f32 to vector<256x4096xf32>
    %neg3A_23 = arith.subf %neg3A_22, %sub3A : vector<256x4096xf32>
    %jit3A = arith.constant 0xFF800000 : f32
    %broadcast_in_dim3A_24 = vector.broadcast %jit3A : f32 to vector<256x4096xf32>
    %select_n3A = arith.select %le3A_21, %neg3A_23, %broadcast_in_dim3A_24 : vector<256x4096xi1>, vector<256x4096xf32>
    %swap3A = arith.constant 0 : index
    %swap3A_25 = arith.constant 0 : index
    %swap3A_26 = arith.constant 0 : index
    %swap3A_27 = vector.load %arg4[%swap3A, %swap3A_25, %swap3A_26] : memref<1x256x4096xf32, #tpu.memory_space<vmem>>, vector<1x256x4096xf32>
    %swap3A_28 = vector.shape_cast %swap3A_27 : vector<1x256x4096xf32> to vector<256x4096xf32>
    %swap3A_29 = vector.shape_cast %select_n3A : vector<256x4096xf32> to vector<1x256x4096xf32>
    tpu.vector_store %arg4[%swap3A, %swap3A_25, %swap3A_26], %swap3A_29 {strides = array<i32>} : memref<1x256x4096xf32, #tpu.memory_space<vmem>>, vector<1x256x4096xf32>,
    return
  }
  func.func @transform_0(%arg0: i32, %arg1: i32) -> (i32, i32, i32) {
    %c0_i32 = arith.constant 0 : i32
    %c0_i32_0 = arith.constant 0 : i32
    return %arg0, %arg1, %c0_i32 : i32, i32, i32
  }
  func.func @transform_1(%arg0: i32, %arg1: i32) -> (i32, i32, i32) {
    %c0_i32 = arith.constant 0 : i32
    %c0_i32_0 = arith.constant 0 : i32
    %c0_i32_1 = arith.constant 0 : i32
    return %arg0, %c0_i32, %c0_i32_0 : i32, i32, i32
  }
  func.func @transform_2(%arg0: i32, %arg1: i32) -> (i32, i32, i32) {
    %c0_i32 = arith.constant 0 : i32
    %c0_i32_0 = arith.constant 0 : i32
    return %arg0, %arg1, %c0_i32 : i32, i32, i32
  }
}

module attributes {stable_mosaic.version = 14 : i64} {
  func.func @_fps_body(%arg0: i32, %arg1: memref<1x3x8x256xf32, #tpu.memory_space<vmem>>, %arg2: memref<1x3x2048xf32, #tpu.memory_space<smem>>, %arg3: memref<1x3x8x64xf32, #tpu.memory_space<vmem>>) attributes {dimension_semantics = [#tpu.dimension_semantics<parallel>], iteration_bounds = array<i64: 4>, scalar_prefetch = 0 : i64, scratch_operands = 0 : i64, tpu.core_type = #tpu.core_type<tc>, window_params = [{transform_indices = @transform_0, window_bounds = array<i64: 1, 3, 8, 256>}, {transform_indices = @transform_1, window_bounds = array<i64: 1, 3, 2048>}, {transform_indices = @transform_2, window_bounds = array<i64: 1, 3, 8, 64>}]} {
    %get3A = arith.constant 0 : index
    %get3A_0 = arith.constant 0 : index
    %get3A_1 = arith.constant 0 : index
    %get3A_2 = arith.constant 0 : index
    %get3A_3 = vector.load %arg1[%get3A, %get3A_0, %get3A_1, %get3A_2] : memref<1x3x8x256xf32, #tpu.memory_space<vmem>>, vector<1x1x8x256xf32>
    %get3A_4 = vector.shape_cast %get3A_3 : vector<1x1x8x256xf32> to vector<8x256xf32>
    %get3A_5 = arith.constant 0 : index
    %get3A_6 = arith.constant 1 : index
    %get3A_7 = arith.constant 0 : index
    %get3A_8 = arith.constant 0 : index
    %get3A_9 = vector.load %arg1[%get3A_5, %get3A_6, %get3A_7, %get3A_8] : memref<1x3x8x256xf32, #tpu.memory_space<vmem>>, vector<1x1x8x256xf32>
    %get3A_10 = vector.shape_cast %get3A_9 : vector<1x1x8x256xf32> to vector<8x256xf32>
    %get3A_11 = arith.constant 0 : index
    %get3A_12 = arith.constant 2 : index
    %get3A_13 = arith.constant 0 : index
    %get3A_14 = arith.constant 0 : index
    %get3A_15 = vector.load %arg1[%get3A_11, %get3A_12, %get3A_13, %get3A_14] : memref<1x3x8x256xf32, #tpu.memory_space<vmem>>, vector<1x1x8x256xf32>
    %get3A_16 = vector.shape_cast %get3A_15 : vector<1x1x8x256xf32> to vector<8x256xf32>
    %iota3A = tpu.iota {dimensions = array<i32: 0>} : vector<8x256xi32>
    %mul3A = arith.constant 256 : i32
    %mul3A_17 = vector.broadcast %mul3A : i32 to vector<8x256xi32>
    %mul3A_18 = arith.muli %iota3A, %mul3A_17 : vector<8x256xi32>
    %iota3A_19 = tpu.iota {dimensions = array<i32: 1>} : vector<8x256xi32>
    %add3A = arith.addi %mul3A_18, %iota3A_19 : vector<8x256xi32>
    %iota3A_20 = tpu.iota {dimensions = array<i32: 0>} : vector<8x64xi32>
    %mul3A_21 = arith.constant 64 : i32
    %mul3A_22 = vector.broadcast %mul3A_21 : i32 to vector<8x64xi32>
    %mul3A_23 = arith.muli %iota3A_20, %mul3A_22 : vector<8x64xi32>
    %iota3A_24 = tpu.iota {dimensions = array<i32: 1>} : vector<8x64xi32>
    %add3A_25 = arith.addi %mul3A_23, %iota3A_24 : vector<8x64xi32>
    %slice3A = vector.extract_strided_slice %get3A_4 {offsets = [0, 0], sizes = [1, 1], strides = [1, 1]} : vector<8x256xf32> to vector<1x1xf32>
    %squeeze3A = vector.extract %slice3A[0, 0] : f32 from vector<1x1xf32>
    %slice3A_26 = vector.extract_strided_slice %get3A_10 {offsets = [0, 0], sizes = [1, 1], strides = [1, 1]} : vector<8x256xf32> to vector<1x1xf32>
    %squeeze3A_27 = vector.extract %slice3A_26[0, 0] : f32 from vector<1x1xf32>
    %slice3A_28 = vector.extract_strided_slice %get3A_16 {offsets = [0, 0], sizes = [1, 1], strides = [1, 1]} : vector<8x256xf32> to vector<1x1xf32>
    %squeeze3A_29 = vector.extract %slice3A_28[0, 0] : f32 from vector<1x1xf32>
    %sub3A = vector.broadcast %squeeze3A : f32 to vector<8x256xf32>
    %sub3A_30 = arith.subf %get3A_4, %sub3A : vector<8x256xf32>
    %sub3A_31 = vector.broadcast %squeeze3A_27 : f32 to vector<8x256xf32>
    %sub3A_32 = arith.subf %get3A_10, %sub3A_31 : vector<8x256xf32>
    %sub3A_33 = vector.broadcast %squeeze3A_29 : f32 to vector<8x256xf32>
    %sub3A_34 = arith.subf %get3A_16, %sub3A_33 : vector<8x256xf32>
    %mul3A_35 = arith.mulf %sub3A_30, %sub3A_30 : vector<8x256xf32>
    %mul3A_36 = arith.mulf %sub3A_32, %sub3A_32 : vector<8x256xf32>
    %add3A_37 = arith.addf %mul3A_35, %mul3A_36 : vector<8x256xf32>
    %mul3A_38 = arith.mulf %sub3A_34, %sub3A_34 : vector<8x256xf32>
    %add3A_39 = arith.addf %add3A_37, %mul3A_38 : vector<8x256xf32>
    %eq3A = arith.constant 0 : i32
    %eq3A_40 = vector.broadcast %eq3A : i32 to vector<8x64xi32>
    %eq3A_41 = arith.cmpi eq, %add3A_25, %eq3A_40 : vector<8x64xi32>
    %jit3A = arith.constant 0.000000e+00 : f32
    %broadcast_in_dim3A = vector.broadcast %squeeze3A : f32 to vector<8x64xf32>
    %broadcast_in_dim3A_42 = vector.broadcast %jit3A : f32 to vector<8x64xf32>
    %select_n3A = arith.select %eq3A_41, %broadcast_in_dim3A, %broadcast_in_dim3A_42 : vector<8x64xi1>, vector<8x64xf32>
    %eq3A_43 = arith.constant 0 : i32
    %eq3A_44 = vector.broadcast %eq3A_43 : i32 to vector<8x64xi32>
    %eq3A_45 = arith.cmpi eq, %add3A_25, %eq3A_44 : vector<8x64xi32>
    %jit3A_46 = arith.constant 0.000000e+00 : f32
    %broadcast_in_dim3A_47 = vector.broadcast %squeeze3A_27 : f32 to vector<8x64xf32>
    %broadcast_in_dim3A_48 = vector.broadcast %jit3A_46 : f32 to vector<8x64xf32>
    %select_n3A_49 = arith.select %eq3A_45, %broadcast_in_dim3A_47, %broadcast_in_dim3A_48 : vector<8x64xi1>, vector<8x64xf32>
    %eq3A_50 = arith.constant 0 : i32
    %eq3A_51 = vector.broadcast %eq3A_50 : i32 to vector<8x64xi32>
    %eq3A_52 = arith.cmpi eq, %add3A_25, %eq3A_51 : vector<8x64xi32>
    %jit3A_53 = arith.constant 0.000000e+00 : f32
    %broadcast_in_dim3A_54 = vector.broadcast %squeeze3A_29 : f32 to vector<8x64xf32>
    %broadcast_in_dim3A_55 = vector.broadcast %jit3A_53 : f32 to vector<8x64xf32>
    %select_n3A_56 = arith.select %eq3A_52, %broadcast_in_dim3A_54, %broadcast_in_dim3A_55 : vector<8x64xi1>, vector<8x64xf32>
    %scan3A = arith.constant 2048 : i32
    %scan3A_57 = arith.constant 1 : i32
    %scan3A_58 = arith.constant 511 : i32
    %scan3A_59 = arith.addi %scan3A_57, %scan3A_58 : i32
    %scan3A_60 = arith.constant 1 : i32
    %scan3A_61:4 = scf.for %scan3A_83 = %scan3A_57 to %scan3A_59 step %scan3A_60 iter_args(%scan3A_84 = %add3A_39, %scan3A_85 = %select_n3A, %scan3A_86 = %select_n3A_49, %scan3A_87 = %select_n3A_56) -> (vector<8x256xf32>, vector<8x64xf32>, vector<8x64xf32>, vector<8x64xf32>)  : i32 {
      %reduce_max3A = vector.shape_cast %scan3A_84 : vector<8x256xf32> to vector<1x8x256xf32>
      %reduce_max3A_88 = arith.constant dense<0xFF800000> : vector<1xf32>
      %reduce_max3A_89 = vector.multi_reduction <maximumf>, %reduce_max3A, %reduce_max3A_88 [1, 2] : vector<1x8x256xf32> to vector<1xf32>
      %reduce_max3A_90 = vector.shape_cast %reduce_max3A_89 : vector<1xf32> to vector<1x1x1xf32>
      %reduce_max3A_91 = vector.extract %reduce_max3A_90[0, 0, 0] : f32 from vector<1x1x1xf32>
      %eq3A_92 = vector.broadcast %reduce_max3A_91 : f32 to vector<8x256xf32>
      %eq3A_93 = arith.cmpf oeq, %scan3A_84, %eq3A_92 : vector<8x256xf32>
      %broadcast_in_dim3A_94 = vector.broadcast %scan3A : i32 to vector<8x256xi32>
      %select_n3A_95 = arith.select %eq3A_93, %add3A, %broadcast_in_dim3A_94 : vector<8x256xi1>, vector<8x256xi32>
      %reduce_min3A = vector.shape_cast %select_n3A_95 : vector<8x256xi32> to vector<1x8x256xi32>
      %reduce_min3A_96 = arith.constant dense<2147483647> : vector<1xi32>
      %reduce_min3A_97 = vector.multi_reduction <minsi>, %reduce_min3A, %reduce_min3A_96 [1, 2] : vector<1x8x256xi32> to vector<1xi32>
      %reduce_min3A_98 = vector.shape_cast %reduce_min3A_97 : vector<1xi32> to vector<1x1x1xi32>
      %reduce_min3A_99 = vector.extract %reduce_min3A_98[0, 0, 0] : i32 from vector<1x1x1xi32>
      %get3A_100 = arith.constant 0 : index
      %get3A_101 = arith.constant 0 : index
      %get3A_102 = arith.index_cast %reduce_min3A_99 : i32 to index
      %get3A_103 = memref.load %arg2[%get3A_100, %get3A_101, %get3A_102] : memref<1x3x2048xf32, #tpu.memory_space<smem>>
      %get3A_104 = arith.constant 0 : index
      %get3A_105 = arith.constant 1 : index
      %get3A_106 = arith.index_cast %reduce_min3A_99 : i32 to index
      %get3A_107 = memref.load %arg2[%get3A_104, %get3A_105, %get3A_106] : memref<1x3x2048xf32, #tpu.memory_space<smem>>
      %get3A_108 = arith.constant 0 : index
      %get3A_109 = arith.constant 2 : index
      %get3A_110 = arith.index_cast %reduce_min3A_99 : i32 to index
      %get3A_111 = memref.load %arg2[%get3A_108, %get3A_109, %get3A_110] : memref<1x3x2048xf32, #tpu.memory_space<smem>>
      %sub3A_112 = vector.broadcast %get3A_103 : f32 to vector<8x256xf32>
      %sub3A_113 = arith.subf %get3A_4, %sub3A_112 : vector<8x256xf32>
      %sub3A_114 = vector.broadcast %get3A_107 : f32 to vector<8x256xf32>
      %sub3A_115 = arith.subf %get3A_10, %sub3A_114 : vector<8x256xf32>
      %sub3A_116 = vector.broadcast %get3A_111 : f32 to vector<8x256xf32>
      %sub3A_117 = arith.subf %get3A_16, %sub3A_116 : vector<8x256xf32>
      %mul3A_118 = arith.mulf %sub3A_113, %sub3A_113 : vector<8x256xf32>
      %mul3A_119 = arith.mulf %sub3A_115, %sub3A_115 : vector<8x256xf32>
      %add3A_120 = arith.addf %mul3A_118, %mul3A_119 : vector<8x256xf32>
      %mul3A_121 = arith.mulf %sub3A_117, %sub3A_117 : vector<8x256xf32>
      %add3A_122 = arith.addf %add3A_120, %mul3A_121 : vector<8x256xf32>
      %min3A = arith.minimumf %scan3A_84, %add3A_122 : vector<8x256xf32>
      %eq3A_123 = vector.broadcast %scan3A_83 : i32 to vector<8x64xi32>
      %eq3A_124 = arith.cmpi eq, %add3A_25, %eq3A_123 : vector<8x64xi32>
      %broadcast_in_dim3A_125 = vector.broadcast %get3A_103 : f32 to vector<8x64xf32>
      %select_n3A_126 = arith.select %eq3A_124, %broadcast_in_dim3A_125, %scan3A_85 : vector<8x64xi1>, vector<8x64xf32>
      %broadcast_in_dim3A_127 = vector.broadcast %get3A_107 : f32 to vector<8x64xf32>
      %select_n3A_128 = arith.select %eq3A_124, %broadcast_in_dim3A_127, %scan3A_86 : vector<8x64xi1>, vector<8x64xf32>
      %broadcast_in_dim3A_129 = vector.broadcast %get3A_111 : f32 to vector<8x64xf32>
      %select_n3A_130 = arith.select %eq3A_124, %broadcast_in_dim3A_129, %scan3A_87 : vector<8x64xi1>, vector<8x64xf32>
      scf.yield %min3A, %select_n3A_126, %select_n3A_128, %select_n3A_130 : vector<8x256xf32>, vector<8x64xf32>, vector<8x64xf32>, vector<8x64xf32>
    }
    %scan3A_62 = arith.constant 511 : i32
    %swap3A = arith.constant 0 : index
    %swap3A_63 = arith.constant 0 : index
    %swap3A_64 = arith.constant 0 : index
    %swap3A_65 = arith.constant 0 : index
    %swap3A_66 = vector.load %arg3[%swap3A, %swap3A_63, %swap3A_64, %swap3A_65] : memref<1x3x8x64xf32, #tpu.memory_space<vmem>>, vector<1x1x8x64xf32>
    %swap3A_67 = vector.shape_cast %swap3A_66 : vector<1x1x8x64xf32> to vector<8x64xf32>
    %swap3A_68 = vector.shape_cast %scan3A_61#1 : vector<8x64xf32> to vector<1x1x8x64xf32>
    tpu.vector_store %arg3[%swap3A, %swap3A_63, %swap3A_64, %swap3A_65], %swap3A_68 {strides = array<i32>} : memref<1x3x8x64xf32, #tpu.memory_space<vmem>>, vector<1x1x8x64xf32>,
    %swap3A_69 = arith.constant 0 : index
    %swap3A_70 = arith.constant 1 : index
    %swap3A_71 = arith.constant 0 : index
    %swap3A_72 = arith.constant 0 : index
    %swap3A_73 = vector.load %arg3[%swap3A_69, %swap3A_70, %swap3A_71, %swap3A_72] : memref<1x3x8x64xf32, #tpu.memory_space<vmem>>, vector<1x1x8x64xf32>
    %swap3A_74 = vector.shape_cast %swap3A_73 : vector<1x1x8x64xf32> to vector<8x64xf32>
    %swap3A_75 = vector.shape_cast %scan3A_61#2 : vector<8x64xf32> to vector<1x1x8x64xf32>
    tpu.vector_store %arg3[%swap3A_69, %swap3A_70, %swap3A_71, %swap3A_72], %swap3A_75 {strides = array<i32>} : memref<1x3x8x64xf32, #tpu.memory_space<vmem>>, vector<1x1x8x64xf32>,
    %swap3A_76 = arith.constant 0 : index
    %swap3A_77 = arith.constant 2 : index
    %swap3A_78 = arith.constant 0 : index
    %swap3A_79 = arith.constant 0 : index
    %swap3A_80 = vector.load %arg3[%swap3A_76, %swap3A_77, %swap3A_78, %swap3A_79] : memref<1x3x8x64xf32, #tpu.memory_space<vmem>>, vector<1x1x8x64xf32>
    %swap3A_81 = vector.shape_cast %swap3A_80 : vector<1x1x8x64xf32> to vector<8x64xf32>
    %swap3A_82 = vector.shape_cast %scan3A_61#3 : vector<8x64xf32> to vector<1x1x8x64xf32>
    tpu.vector_store %arg3[%swap3A_76, %swap3A_77, %swap3A_78, %swap3A_79], %swap3A_82 {strides = array<i32>} : memref<1x3x8x64xf32, #tpu.memory_space<vmem>>, vector<1x1x8x64xf32>,
    return
  }
  func.func @transform_0(%arg0: i32) -> (i32, i32, i32, i32) {
    %c0_i32 = arith.constant 0 : i32
    %c0_i32_0 = arith.constant 0 : i32
    %c0_i32_1 = arith.constant 0 : i32
    %c0_i32_2 = arith.constant 0 : i32
    return %arg0, %c0_i32, %c0_i32_0, %c0_i32_1 : i32, i32, i32, i32
  }
  func.func @transform_1(%arg0: i32) -> (i32, i32, i32) {
    %c0_i32 = arith.constant 0 : i32
    %c0_i32_0 = arith.constant 0 : i32
    %c0_i32_1 = arith.constant 0 : i32
    return %arg0, %c0_i32, %c0_i32_0 : i32, i32, i32
  }
  func.func @transform_2(%arg0: i32) -> (i32, i32, i32, i32) {
    %c0_i32 = arith.constant 0 : i32
    %c0_i32_0 = arith.constant 0 : i32
    %c0_i32_1 = arith.constant 0 : i32
    %c0_i32_2 = arith.constant 0 : i32
    return %arg0, %c0_i32, %c0_i32_0, %c0_i32_1 : i32, i32, i32, i32
  }
}

module attributes {stable_mosaic.version = 14 : i64} {
  func.func @_scores_body(%arg0: i32, %arg1: i32, %arg2: memref<1x256x3xf32, #tpu.memory_space<vmem>>, %arg3: memref<1x3x2048xf32, #tpu.memory_space<vmem>>, %arg4: memref<1x256x2048xf32, #tpu.memory_space<vmem>>) attributes {dimension_semantics = [#tpu.dimension_semantics<parallel>, #tpu.dimension_semantics<arbitrary>], iteration_bounds = array<i64: 4, 2>, scalar_prefetch = 0 : i64, scratch_operands = 0 : i64, tpu.core_type = #tpu.core_type<tc>, window_params = [{transform_indices = @transform_0, window_bounds = array<i64: 1, 256, 3>}, {transform_indices = @transform_1, window_bounds = array<i64: 1, 3, 2048>}, {transform_indices = @transform_2, window_bounds = array<i64: 1, 256, 2048>}]} {
    %get3A = arith.constant 0 : index
    %get3A_0 = arith.constant 0 : index
    %get3A_1 = arith.constant 0 : index
    %get3A_2 = vector.load %arg2[%get3A, %get3A_0, %get3A_1] : memref<1x256x3xf32, #tpu.memory_space<vmem>>, vector<1x256x3xf32>
    %get3A_3 = vector.shape_cast %get3A_2 : vector<1x256x3xf32> to vector<256x3xf32>
    %get3A_4 = arith.constant 0 : index
    %get3A_5 = arith.constant 0 : index
    %get3A_6 = arith.constant 0 : index
    %get3A_7 = vector.load %arg3[%get3A_4, %get3A_5, %get3A_6] : memref<1x3x2048xf32, #tpu.memory_space<vmem>>, vector<1x3x2048xf32>
    %get3A_8 = vector.shape_cast %get3A_7 : vector<1x3x2048xf32> to vector<3x2048xf32>
    %mul3A = arith.mulf %get3A_3, %get3A_3 : vector<256x3xf32>
    %reduce_sum3A = arith.constant dense<0.000000e+00> : vector<256xf32>
    %reduce_sum3A_9 = vector.multi_reduction <add>, %mul3A, %reduce_sum3A [1] : vector<256x3xf32> to vector<256xf32>
    %broadcast_in_dim3A = vector.shape_cast %reduce_sum3A_9 : vector<256xf32> to vector<256x1xf32>
    %mul3A_10 = arith.mulf %get3A_8, %get3A_8 : vector<3x2048xf32>
    %reduce_sum3A_11 = arith.constant dense<0.000000e+00> : vector<2048xf32>
    %reduce_sum3A_12 = vector.multi_reduction <add>, %mul3A_10, %reduce_sum3A_11 [0] : vector<3x2048xf32> to vector<2048xf32>
    %broadcast_in_dim3A_13 = vector.shape_cast %reduce_sum3A_12 : vector<2048xf32> to vector<1x2048xf32>
    %dot_general3A = arith.constant dense<0.000000e+00> : vector<256x2048xf32>
    %dot_general3A_14 = tpu.matmul %get3A_3, %get3A_8, %dot_general3A {dimension_numbers = #tpu.dot_dimension_numbers<[1], [0], [0], [1], [0, 0, 1, 1], [], []>, transpose_lhs_hint = false} : vector<256x3xf32>, vector<3x2048xf32>, vector<256x2048xf32> -> vector<256x2048xf32>
    %add3A = vector.broadcast %broadcast_in_dim3A : vector<256x1xf32> to vector<256x2048xf32>
    %add3A_15 = vector.broadcast %broadcast_in_dim3A_13 : vector<1x2048xf32> to vector<256x2048xf32>
    %add3A_16 = arith.addf %add3A, %add3A_15 : vector<256x2048xf32>
    %mul3A_17 = arith.constant 2.000000e+00 : f32
    %mul3A_18 = vector.broadcast %mul3A_17 : f32 to vector<256x2048xf32>
    %mul3A_19 = arith.mulf %mul3A_18, %dot_general3A_14 : vector<256x2048xf32>
    %sub3A = arith.subf %add3A_16, %mul3A_19 : vector<256x2048xf32>
    %le3A = arith.constant 1.000000e+00 : f32
    %le3A_20 = vector.broadcast %le3A : f32 to vector<256x2048xf32>
    %le3A_21 = arith.cmpf ole, %sub3A, %le3A_20 : vector<256x2048xf32>
    %neg3A = arith.constant 0.000000e+00 : f32
    %neg3A_22 = vector.broadcast %neg3A : f32 to vector<256x2048xf32>
    %neg3A_23 = arith.subf %neg3A_22, %sub3A : vector<256x2048xf32>
    %jit3A = arith.constant 0xFF800000 : f32
    %broadcast_in_dim3A_24 = vector.broadcast %jit3A : f32 to vector<256x2048xf32>
    %select_n3A = arith.select %le3A_21, %neg3A_23, %broadcast_in_dim3A_24 : vector<256x2048xi1>, vector<256x2048xf32>
    %swap3A = arith.constant 0 : index
    %swap3A_25 = arith.constant 0 : index
    %swap3A_26 = arith.constant 0 : index
    %swap3A_27 = vector.load %arg4[%swap3A, %swap3A_25, %swap3A_26] : memref<1x256x2048xf32, #tpu.memory_space<vmem>>, vector<1x256x2048xf32>
    %swap3A_28 = vector.shape_cast %swap3A_27 : vector<1x256x2048xf32> to vector<256x2048xf32>
    %swap3A_29 = vector.shape_cast %select_n3A : vector<256x2048xf32> to vector<1x256x2048xf32>
    tpu.vector_store %arg4[%swap3A, %swap3A_25, %swap3A_26], %swap3A_29 {strides = array<i32>} : memref<1x256x2048xf32, #tpu.memory_space<vmem>>, vector<1x256x2048xf32>,
    return
  }
  func.func @transform_0(%arg0: i32, %arg1: i32) -> (i32, i32, i32) {
    %c0_i32 = arith.constant 0 : i32
    %c0_i32_0 = arith.constant 0 : i32
    return %arg0, %arg1, %c0_i32 : i32, i32, i32
  }
  func.func @transform_1(%arg0: i32, %arg1: i32) -> (i32, i32, i32) {
    %c0_i32 = arith.constant 0 : i32
    %c0_i32_0 = arith.constant 0 : i32
    %c0_i32_1 = arith.constant 0 : i32
    return %arg0, %c0_i32, %c0_i32_0 : i32, i32, i32
  }
  func.func @transform_2(%arg0: i32, %arg1: i32) -> (i32, i32, i32) {
    %c0_i32 = arith.constant 0 : i32
    %c0_i32_0 = arith.constant 0 : i32
    return %arg0, %arg1, %c0_i32 : i32, i32, i32
  }
}

module attributes {stable_mosaic.version = 14 : i64} {
  func.func @_mlp_body(%arg0: i32, %arg1: i32, %arg2: memref<1x8192x128xf32, #tpu.memory_space<vmem>>, %arg3: memref<1x8192x3xf32, #tpu.memory_space<vmem>>, %arg4: memref<1x8192x1xf32, #tpu.memory_space<vmem>>, %arg5: memref<3x32xf32, #tpu.memory_space<vmem>>, %arg6: memref<3x32xf32, #tpu.memory_space<vmem>>, %arg7: memref<1x32xf32, #tpu.memory_space<vmem>>, %arg8: memref<32x32xf32, #tpu.memory_space<vmem>>, %arg9: memref<1x32xf32, #tpu.memory_space<vmem>>, %arg10: memref<32x64xf32, #tpu.memory_space<vmem>>, %arg11: memref<1x64xf32, #tpu.memory_space<vmem>>, %arg12: memref<1x128x64xf32, #tpu.memory_space<vmem>>) attributes {dimension_semantics = [#tpu.dimension_semantics<parallel>, #tpu.dimension_semantics<arbitrary>], iteration_bounds = array<i64: 4, 16>, scalar_prefetch = 0 : i64, scratch_operands = 0 : i64, tpu.core_type = #tpu.core_type<tc>, window_params = [{transform_indices = @transform_0, window_bounds = array<i64: 1, 8192, 128>}, {transform_indices = @transform_1, window_bounds = array<i64: 1, 8192, 3>}, {transform_indices = @transform_2, window_bounds = array<i64: 1, 8192, 1>}, {pipeline_mode = #tpu.pipeline_mode<synchronous>, transform_indices = @transform_3, window_bounds = array<i64: 3, 32>}, {pipeline_mode = #tpu.pipeline_mode<synchronous>, transform_indices = @transform_4, window_bounds = array<i64: 3, 32>}, {pipeline_mode = #tpu.pipeline_mode<synchronous>, transform_indices = @transform_5, window_bounds = array<i64: 1, 32>}, {pipeline_mode = #tpu.pipeline_mode<synchronous>, transform_indices = @transform_6, window_bounds = array<i64: 32, 32>}, {pipeline_mode = #tpu.pipeline_mode<synchronous>, transform_indices = @transform_7, window_bounds = array<i64: 1, 32>}, {pipeline_mode = #tpu.pipeline_mode<synchronous>, transform_indices = @transform_8, window_bounds = array<i64: 32, 64>}, {pipeline_mode = #tpu.pipeline_mode<synchronous>, transform_indices = @transform_9, window_bounds = array<i64: 1, 64>}, {transform_indices = @transform_10, window_bounds = array<i64: 1, 128, 64>}]} {
    %get3A = arith.constant 0 : index
    %get3A_0 = arith.constant 0 : index
    %get3A_1 = arith.constant 0 : index
    %get3A_2 = vector.load %arg2[%get3A, %get3A_0, %get3A_1] : memref<1x8192x128xf32, #tpu.memory_space<vmem>>, vector<1x8192x128xf32>
    %get3A_3 = vector.shape_cast %get3A_2 : vector<1x8192x128xf32> to vector<8192x128xf32>
    %slice3A = vector.extract_strided_slice %get3A_3 {offsets = [0, 3], sizes = [8192, 3], strides = [1, 1]} : vector<8192x128xf32> to vector<8192x3xf32>
    %slice3A_4 = vector.extract_strided_slice %get3A_3 {offsets = [0, 0], sizes = [8192, 3], strides = [1, 1]} : vector<8192x128xf32> to vector<8192x3xf32>
    %get3A_5 = arith.constant 0 : index
    %get3A_6 = arith.constant 0 : index
    %get3A_7 = arith.constant 0 : index
    %get3A_8 = vector.load %arg3[%get3A_5, %get3A_6, %get3A_7] : memref<1x8192x3xf32, #tpu.memory_space<vmem>>, vector<1x8192x3xf32>
    %get3A_9 = vector.shape_cast %get3A_8 : vector<1x8192x3xf32> to vector<8192x3xf32>
    %sub3A = arith.subf %slice3A_4, %get3A_9 : vector<8192x3xf32>
    %get3A_10 = arith.constant 0 : index
    %get3A_11 = arith.constant 0 : index
    %get3A_12 = vector.load %arg5[%get3A_10, %get3A_11] : memref<3x32xf32, #tpu.memory_space<vmem>>, vector<3x32xf32>
    %dot_general3A = arith.constant dense<0.000000e+00> : vector<8192x32xf32>
    %dot_general3A_13 = tpu.matmul %slice3A, %get3A_12, %dot_general3A {dimension_numbers = #tpu.dot_dimension_numbers<[1], [0], [0], [1], [0, 0, 1, 1], [], []>, transpose_lhs_hint = false} : vector<8192x3xf32>, vector<3x32xf32>, vector<8192x32xf32> -> vector<8192x32xf32>
    %get3A_14 = arith.constant 0 : index
    %get3A_15 = arith.constant 0 : index
    %get3A_16 = vector.load %arg6[%get3A_14, %get3A_15] : memref<3x32xf32, #tpu.memory_space<vmem>>, vector<3x32xf32>
    %dot_general3A_17 = arith.constant dense<0.000000e+00> : vector<8192x32xf32>
    %dot_general3A_18 = tpu.matmul %sub3A, %get3A_16, %dot_general3A_17 {dimension_numbers = #tpu.dot_dimension_numbers<[1], [0], [0], [1], [0, 0, 1, 1], [], []>, transpose_lhs_hint = false} : vector<8192x3xf32>, vector<3x32xf32>, vector<8192x32xf32> -> vector<8192x32xf32>
    %add3A = arith.addf %dot_general3A_13, %dot_general3A_18 : vector<8192x32xf32>
    %get3A_19 = arith.constant 0 : index
    %get3A_20 = arith.constant 0 : index
    %get3A_21 = vector.load %arg7[%get3A_19, %get3A_20] : memref<1x32xf32, #tpu.memory_space<vmem>>, vector<1x32xf32>
    %add3A_22 = vector.broadcast %get3A_21 : vector<1x32xf32> to vector<8192x32xf32>
    %add3A_23 = arith.addf %add3A, %add3A_22 : vector<8192x32xf32>
    %max3A = arith.constant 0.000000e+00 : f32
    %max3A_24 = vector.broadcast %max3A : f32 to vector<8192x32xf32>
    %max3A_25 = arith.maximumf %add3A_23, %max3A_24 : vector<8192x32xf32>
    %get3A_26 = arith.constant 0 : index
    %get3A_27 = arith.constant 0 : index
    %get3A_28 = vector.load %arg8[%get3A_26, %get3A_27] : memref<32x32xf32, #tpu.memory_space<vmem>>, vector<32x32xf32>
    %dot_general3A_29 = arith.constant dense<0.000000e+00> : vector<8192x32xf32>
    %dot_general3A_30 = tpu.matmul %max3A_25, %get3A_28, %dot_general3A_29 {dimension_numbers = #tpu.dot_dimension_numbers<[1], [0], [0], [1], [0, 0, 1, 1], [], []>, transpose_lhs_hint = false} : vector<8192x32xf32>, vector<32x32xf32>, vector<8192x32xf32> -> vector<8192x32xf32>
    %get3A_31 = arith.constant 0 : index
    %get3A_32 = arith.constant 0 : index
    %get3A_33 = vector.load %arg9[%get3A_31, %get3A_32] : memref<1x32xf32, #tpu.memory_space<vmem>>, vector<1x32xf32>
    %add3A_34 = vector.broadcast %get3A_33 : vector<1x32xf32> to vector<8192x32xf32>
    %add3A_35 = arith.addf %dot_general3A_30, %add3A_34 : vector<8192x32xf32>
    %max3A_36 = arith.constant 0.000000e+00 : f32
    %max3A_37 = vector.broadcast %max3A_36 : f32 to vector<8192x32xf32>
    %max3A_38 = arith.maximumf %add3A_35, %max3A_37 : vector<8192x32xf32>
    %get3A_39 = arith.constant 0 : index
    %get3A_40 = arith.constant 0 : index
    %get3A_41 = vector.load %arg10[%get3A_39, %get3A_40] : memref<32x64xf32, #tpu.memory_space<vmem>>, vector<32x64xf32>
    %dot_general3A_42 = arith.constant dense<0.000000e+00> : vector<8192x64xf32>
    %dot_general3A_43 = tpu.matmul %max3A_38, %get3A_41, %dot_general3A_42 {dimension_numbers = #tpu.dot_dimension_numbers<[1], [0], [0], [1], [0, 0, 1, 1], [], []>, transpose_lhs_hint = false} : vector<8192x32xf32>, vector<32x64xf32>, vector<8192x64xf32> -> vector<8192x64xf32>
    %get3A_44 = arith.constant 0 : index
    %get3A_45 = arith.constant 0 : index
    %get3A_46 = vector.load %arg11[%get3A_44, %get3A_45] : memref<1x64xf32, #tpu.memory_space<vmem>>, vector<1x64xf32>
    %add3A_47 = vector.broadcast %get3A_46 : vector<1x64xf32> to vector<8192x64xf32>
    %add3A_48 = arith.addf %dot_general3A_43, %add3A_47 : vector<8192x64xf32>
    %max3A_49 = arith.constant 0.000000e+00 : f32
    %max3A_50 = vector.broadcast %max3A_49 : f32 to vector<8192x64xf32>
    %max3A_51 = arith.maximumf %add3A_48, %max3A_50 : vector<8192x64xf32>
    %get3A_52 = arith.constant 0 : index
    %get3A_53 = arith.constant 0 : index
    %get3A_54 = arith.constant 0 : index
    %get3A_55 = vector.load %arg4[%get3A_52, %get3A_53, %get3A_54] : memref<1x8192x1xf32, #tpu.memory_space<vmem>>, vector<1x8192x1xf32>
    %get3A_56 = vector.shape_cast %get3A_55 : vector<1x8192x1xf32> to vector<8192x1xf32>
    %gt3A = arith.constant 0.000000e+00 : f32
    %gt3A_57 = vector.broadcast %gt3A : f32 to vector<8192x1xf32>
    %gt3A_58 = arith.cmpf ogt, %get3A_56, %gt3A_57 : vector<8192x1xf32>
    %jit3A = arith.constant 0xFF800000 : f32
    %broadcast_in_dim3A = vector.shape_cast %gt3A_58 : vector<8192x1xi1> to vector<8192x1xi1>
    %broadcast_in_dim3A_59 = vector.broadcast %broadcast_in_dim3A : vector<8192x1xi1> to vector<8192x64xi1>
    %broadcast_in_dim3A_60 = vector.broadcast %jit3A : f32 to vector<8192x64xf32>
    %select_n3A = arith.select %broadcast_in_dim3A_59, %max3A_51, %broadcast_in_dim3A_60 : vector<8192x64xi1>, vector<8192x64xf32>
    %reshape3A = vector.shape_cast %select_n3A : vector<8192x64xf32> to vector<128x64x64xf32>
    %reduce_max3A = arith.constant dense<0xFF800000> : vector<128x64xf32>
    %reduce_max3A_61 = vector.multi_reduction <maximumf>, %reshape3A, %reduce_max3A [1] : vector<128x64x64xf32> to vector<128x64xf32>
    %is_finite3A = tpu.weird %reduce_max3A_61 : vector<128x64xf32> -> vector<128x64xi1>
    %is_finite3A_62 = arith.constant dense<true> : vector<128x64xi1>
    %is_finite3A_63 = arith.xori %is_finite3A, %is_finite3A_62 : vector<128x64xi1>
    %jit3A_64 = arith.constant 0.000000e+00 : f32
    %broadcast_in_dim3A_65 = vector.broadcast %jit3A_64 : f32 to vector<128x64xf32>
    %select_n3A_66 = arith.select %is_finite3A_63, %reduce_max3A_61, %broadcast_in_dim3A_65 : vector<128x64xi1>, vector<128x64xf32>
    %swap3A = arith.constant 0 : index
    %swap3A_67 = arith.constant 0 : index
    %swap3A_68 = arith.constant 0 : index
    %swap3A_69 = vector.load %arg12[%swap3A, %swap3A_67, %swap3A_68] : memref<1x128x64xf32, #tpu.memory_space<vmem>>, vector<1x128x64xf32>
    %swap3A_70 = vector.shape_cast %swap3A_69 : vector<1x128x64xf32> to vector<128x64xf32>
    %swap3A_71 = vector.shape_cast %select_n3A_66 : vector<128x64xf32> to vector<1x128x64xf32>
    tpu.vector_store %arg12[%swap3A, %swap3A_67, %swap3A_68], %swap3A_71 {strides = array<i32>} : memref<1x128x64xf32, #tpu.memory_space<vmem>>, vector<1x128x64xf32>,
    return
  }
  func.func @transform_0(%arg0: i32, %arg1: i32) -> (i32, i32, i32) {
    %c0_i32 = arith.constant 0 : i32
    %c0_i32_0 = arith.constant 0 : i32
    return %arg0, %arg1, %c0_i32 : i32, i32, i32
  }
  func.func @transform_1(%arg0: i32, %arg1: i32) -> (i32, i32, i32) {
    %c0_i32 = arith.constant 0 : i32
    %c0_i32_0 = arith.constant 0 : i32
    return %arg0, %arg1, %c0_i32 : i32, i32, i32
  }
  func.func @transform_2(%arg0: i32, %arg1: i32) -> (i32, i32, i32) {
    %c0_i32 = arith.constant 0 : i32
    %c0_i32_0 = arith.constant 0 : i32
    return %arg0, %arg1, %c0_i32 : i32, i32, i32
  }
  func.func @transform_3(%arg0: i32, %arg1: i32) -> (i32, i32) {
    %c0_i32 = arith.constant 0 : i32
    %c0_i32_0 = arith.constant 0 : i32
    %c0_i32_1 = arith.constant 0 : i32
    return %c0_i32, %c0_i32_0 : i32, i32
  }
  func.func @transform_4(%arg0: i32, %arg1: i32) -> (i32, i32) {
    %c0_i32 = arith.constant 0 : i32
    %c0_i32_0 = arith.constant 0 : i32
    %c0_i32_1 = arith.constant 0 : i32
    return %c0_i32, %c0_i32_0 : i32, i32
  }
  func.func @transform_5(%arg0: i32, %arg1: i32) -> (i32, i32) {
    %c0_i32 = arith.constant 0 : i32
    %c0_i32_0 = arith.constant 0 : i32
    %c0_i32_1 = arith.constant 0 : i32
    return %c0_i32, %c0_i32_0 : i32, i32
  }
  func.func @transform_6(%arg0: i32, %arg1: i32) -> (i32, i32) {
    %c0_i32 = arith.constant 0 : i32
    %c0_i32_0 = arith.constant 0 : i32
    %c0_i32_1 = arith.constant 0 : i32
    return %c0_i32, %c0_i32_0 : i32, i32
  }
  func.func @transform_7(%arg0: i32, %arg1: i32) -> (i32, i32) {
    %c0_i32 = arith.constant 0 : i32
    %c0_i32_0 = arith.constant 0 : i32
    %c0_i32_1 = arith.constant 0 : i32
    return %c0_i32, %c0_i32_0 : i32, i32
  }
  func.func @transform_8(%arg0: i32, %arg1: i32) -> (i32, i32) {
    %c0_i32 = arith.constant 0 : i32
    %c0_i32_0 = arith.constant 0 : i32
    %c0_i32_1 = arith.constant 0 : i32
    return %c0_i32, %c0_i32_0 : i32, i32
  }
  func.func @transform_9(%arg0: i32, %arg1: i32) -> (i32, i32) {
    %c0_i32 = arith.constant 0 : i32
    %c0_i32_0 = arith.constant 0 : i32
    %c0_i32_1 = arith.constant 0 : i32
    return %c0_i32, %c0_i32_0 : i32, i32
  }
  func.func @transform_10(%arg0: i32, %arg1: i32) -> (i32, i32, i32) {
    %c0_i32 = arith.constant 0 : i32
    %c0_i32_0 = arith.constant 0 : i32
    return %arg0, %arg1, %c0_i32 : i32, i32, i32
  }
}

module attributes {stable_mosaic.version = 14 : i64} {
  func.func @_mlp_body(%arg0: i32, %arg1: i32, %arg2: memref<1x8192x128xf32, #tpu.memory_space<vmem>>, %arg3: memref<1x8192x3xf32, #tpu.memory_space<vmem>>, %arg4: memref<1x8192x1xf32, #tpu.memory_space<vmem>>, %arg5: memref<64x64xf32, #tpu.memory_space<vmem>>, %arg6: memref<3x64xf32, #tpu.memory_space<vmem>>, %arg7: memref<1x64xf32, #tpu.memory_space<vmem>>, %arg8: memref<64x64xf32, #tpu.memory_space<vmem>>, %arg9: memref<1x64xf32, #tpu.memory_space<vmem>>, %arg10: memref<64x128xf32, #tpu.memory_space<vmem>>, %arg11: memref<1x128xf32, #tpu.memory_space<vmem>>, %arg12: memref<1x128x128xf32, #tpu.memory_space<vmem>>) attributes {dimension_semantics = [#tpu.dimension_semantics<parallel>, #tpu.dimension_semantics<arbitrary>], iteration_bounds = array<i64: 4, 4>, scalar_prefetch = 0 : i64, scratch_operands = 0 : i64, tpu.core_type = #tpu.core_type<tc>, window_params = [{transform_indices = @transform_0, window_bounds = array<i64: 1, 8192, 128>}, {transform_indices = @transform_1, window_bounds = array<i64: 1, 8192, 3>}, {transform_indices = @transform_2, window_bounds = array<i64: 1, 8192, 1>}, {pipeline_mode = #tpu.pipeline_mode<synchronous>, transform_indices = @transform_3, window_bounds = array<i64: 64, 64>}, {pipeline_mode = #tpu.pipeline_mode<synchronous>, transform_indices = @transform_4, window_bounds = array<i64: 3, 64>}, {pipeline_mode = #tpu.pipeline_mode<synchronous>, transform_indices = @transform_5, window_bounds = array<i64: 1, 64>}, {pipeline_mode = #tpu.pipeline_mode<synchronous>, transform_indices = @transform_6, window_bounds = array<i64: 64, 64>}, {pipeline_mode = #tpu.pipeline_mode<synchronous>, transform_indices = @transform_7, window_bounds = array<i64: 1, 64>}, {pipeline_mode = #tpu.pipeline_mode<synchronous>, transform_indices = @transform_8, window_bounds = array<i64: 64, 128>}, {pipeline_mode = #tpu.pipeline_mode<synchronous>, transform_indices = @transform_9, window_bounds = array<i64: 1, 128>}, {transform_indices = @transform_10, window_bounds = array<i64: 1, 128, 128>}]} {
    %get3A = arith.constant 0 : index
    %get3A_0 = arith.constant 0 : index
    %get3A_1 = arith.constant 0 : index
    %get3A_2 = vector.load %arg2[%get3A, %get3A_0, %get3A_1] : memref<1x8192x128xf32, #tpu.memory_space<vmem>>, vector<1x8192x128xf32>
    %get3A_3 = vector.shape_cast %get3A_2 : vector<1x8192x128xf32> to vector<8192x128xf32>
    %slice3A = vector.extract_strided_slice %get3A_3 {offsets = [0, 3], sizes = [8192, 64], strides = [1, 1]} : vector<8192x128xf32> to vector<8192x64xf32>
    %slice3A_4 = vector.extract_strided_slice %get3A_3 {offsets = [0, 0], sizes = [8192, 3], strides = [1, 1]} : vector<8192x128xf32> to vector<8192x3xf32>
    %get3A_5 = arith.constant 0 : index
    %get3A_6 = arith.constant 0 : index
    %get3A_7 = arith.constant 0 : index
    %get3A_8 = vector.load %arg3[%get3A_5, %get3A_6, %get3A_7] : memref<1x8192x3xf32, #tpu.memory_space<vmem>>, vector<1x8192x3xf32>
    %get3A_9 = vector.shape_cast %get3A_8 : vector<1x8192x3xf32> to vector<8192x3xf32>
    %sub3A = arith.subf %slice3A_4, %get3A_9 : vector<8192x3xf32>
    %get3A_10 = arith.constant 0 : index
    %get3A_11 = arith.constant 0 : index
    %get3A_12 = vector.load %arg5[%get3A_10, %get3A_11] : memref<64x64xf32, #tpu.memory_space<vmem>>, vector<64x64xf32>
    %dot_general3A = arith.constant dense<0.000000e+00> : vector<8192x64xf32>
    %dot_general3A_13 = tpu.matmul %slice3A, %get3A_12, %dot_general3A {dimension_numbers = #tpu.dot_dimension_numbers<[1], [0], [0], [1], [0, 0, 1, 1], [], []>, transpose_lhs_hint = false} : vector<8192x64xf32>, vector<64x64xf32>, vector<8192x64xf32> -> vector<8192x64xf32>
    %get3A_14 = arith.constant 0 : index
    %get3A_15 = arith.constant 0 : index
    %get3A_16 = vector.load %arg6[%get3A_14, %get3A_15] : memref<3x64xf32, #tpu.memory_space<vmem>>, vector<3x64xf32>
    %dot_general3A_17 = arith.constant dense<0.000000e+00> : vector<8192x64xf32>
    %dot_general3A_18 = tpu.matmul %sub3A, %get3A_16, %dot_general3A_17 {dimension_numbers = #tpu.dot_dimension_numbers<[1], [0], [0], [1], [0, 0, 1, 1], [], []>, transpose_lhs_hint = false} : vector<8192x3xf32>, vector<3x64xf32>, vector<8192x64xf32> -> vector<8192x64xf32>
    %add3A = arith.addf %dot_general3A_13, %dot_general3A_18 : vector<8192x64xf32>
    %get3A_19 = arith.constant 0 : index
    %get3A_20 = arith.constant 0 : index
    %get3A_21 = vector.load %arg7[%get3A_19, %get3A_20] : memref<1x64xf32, #tpu.memory_space<vmem>>, vector<1x64xf32>
    %add3A_22 = vector.broadcast %get3A_21 : vector<1x64xf32> to vector<8192x64xf32>
    %add3A_23 = arith.addf %add3A, %add3A_22 : vector<8192x64xf32>
    %max3A = arith.constant 0.000000e+00 : f32
    %max3A_24 = vector.broadcast %max3A : f32 to vector<8192x64xf32>
    %max3A_25 = arith.maximumf %add3A_23, %max3A_24 : vector<8192x64xf32>
    %get3A_26 = arith.constant 0 : index
    %get3A_27 = arith.constant 0 : index
    %get3A_28 = vector.load %arg8[%get3A_26, %get3A_27] : memref<64x64xf32, #tpu.memory_space<vmem>>, vector<64x64xf32>
    %dot_general3A_29 = arith.constant dense<0.000000e+00> : vector<8192x64xf32>
    %dot_general3A_30 = tpu.matmul %max3A_25, %get3A_28, %dot_general3A_29 {dimension_numbers = #tpu.dot_dimension_numbers<[1], [0], [0], [1], [0, 0, 1, 1], [], []>, transpose_lhs_hint = false} : vector<8192x64xf32>, vector<64x64xf32>, vector<8192x64xf32> -> vector<8192x64xf32>
    %get3A_31 = arith.constant 0 : index
    %get3A_32 = arith.constant 0 : index
    %get3A_33 = vector.load %arg9[%get3A_31, %get3A_32] : memref<1x64xf32, #tpu.memory_space<vmem>>, vector<1x64xf32>
    %add3A_34 = vector.broadcast %get3A_33 : vector<1x64xf32> to vector<8192x64xf32>
    %add3A_35 = arith.addf %dot_general3A_30, %add3A_34 : vector<8192x64xf32>
    %max3A_36 = arith.constant 0.000000e+00 : f32
    %max3A_37 = vector.broadcast %max3A_36 : f32 to vector<8192x64xf32>
    %max3A_38 = arith.maximumf %add3A_35, %max3A_37 : vector<8192x64xf32>
    %get3A_39 = arith.constant 0 : index
    %get3A_40 = arith.constant 0 : index
    %get3A_41 = vector.load %arg10[%get3A_39, %get3A_40] : memref<64x128xf32, #tpu.memory_space<vmem>>, vector<64x128xf32>
    %dot_general3A_42 = arith.constant dense<0.000000e+00> : vector<8192x128xf32>
    %dot_general3A_43 = tpu.matmul %max3A_38, %get3A_41, %dot_general3A_42 {dimension_numbers = #tpu.dot_dimension_numbers<[1], [0], [0], [1], [0, 0, 1, 1], [], []>, transpose_lhs_hint = false} : vector<8192x64xf32>, vector<64x128xf32>, vector<8192x128xf32> -> vector<8192x128xf32>
    %get3A_44 = arith.constant 0 : index
    %get3A_45 = arith.constant 0 : index
    %get3A_46 = vector.load %arg11[%get3A_44, %get3A_45] : memref<1x128xf32, #tpu.memory_space<vmem>>, vector<1x128xf32>
    %add3A_47 = vector.broadcast %get3A_46 : vector<1x128xf32> to vector<8192x128xf32>
    %add3A_48 = arith.addf %dot_general3A_43, %add3A_47 : vector<8192x128xf32>
    %max3A_49 = arith.constant 0.000000e+00 : f32
    %max3A_50 = vector.broadcast %max3A_49 : f32 to vector<8192x128xf32>
    %max3A_51 = arith.maximumf %add3A_48, %max3A_50 : vector<8192x128xf32>
    %get3A_52 = arith.constant 0 : index
    %get3A_53 = arith.constant 0 : index
    %get3A_54 = arith.constant 0 : index
    %get3A_55 = vector.load %arg4[%get3A_52, %get3A_53, %get3A_54] : memref<1x8192x1xf32, #tpu.memory_space<vmem>>, vector<1x8192x1xf32>
    %get3A_56 = vector.shape_cast %get3A_55 : vector<1x8192x1xf32> to vector<8192x1xf32>
    %gt3A = arith.constant 0.000000e+00 : f32
    %gt3A_57 = vector.broadcast %gt3A : f32 to vector<8192x1xf32>
    %gt3A_58 = arith.cmpf ogt, %get3A_56, %gt3A_57 : vector<8192x1xf32>
    %jit3A = arith.constant 0xFF800000 : f32
    %broadcast_in_dim3A = vector.shape_cast %gt3A_58 : vector<8192x1xi1> to vector<8192x1xi1>
    %broadcast_in_dim3A_59 = vector.broadcast %broadcast_in_dim3A : vector<8192x1xi1> to vector<8192x128xi1>
    %broadcast_in_dim3A_60 = vector.broadcast %jit3A : f32 to vector<8192x128xf32>
    %select_n3A = arith.select %broadcast_in_dim3A_59, %max3A_51, %broadcast_in_dim3A_60 : vector<8192x128xi1>, vector<8192x128xf32>
    %reshape3A = vector.shape_cast %select_n3A : vector<8192x128xf32> to vector<128x64x128xf32>
    %reduce_max3A = arith.constant dense<0xFF800000> : vector<128x128xf32>
    %reduce_max3A_61 = vector.multi_reduction <maximumf>, %reshape3A, %reduce_max3A [1] : vector<128x64x128xf32> to vector<128x128xf32>
    %is_finite3A = tpu.weird %reduce_max3A_61 : vector<128x128xf32> -> vector<128x128xi1>
    %is_finite3A_62 = arith.constant dense<true> : vector<128x128xi1>
    %is_finite3A_63 = arith.xori %is_finite3A, %is_finite3A_62 : vector<128x128xi1>
    %jit3A_64 = arith.constant 0.000000e+00 : f32
    %broadcast_in_dim3A_65 = vector.broadcast %jit3A_64 : f32 to vector<128x128xf32>
    %select_n3A_66 = arith.select %is_finite3A_63, %reduce_max3A_61, %broadcast_in_dim3A_65 : vector<128x128xi1>, vector<128x128xf32>
    %swap3A = arith.constant 0 : index
    %swap3A_67 = arith.constant 0 : index
    %swap3A_68 = arith.constant 0 : index
    %swap3A_69 = vector.load %arg12[%swap3A, %swap3A_67, %swap3A_68] : memref<1x128x128xf32, #tpu.memory_space<vmem>>, vector<1x128x128xf32>
    %swap3A_70 = vector.shape_cast %swap3A_69 : vector<1x128x128xf32> to vector<128x128xf32>
    %swap3A_71 = vector.shape_cast %select_n3A_66 : vector<128x128xf32> to vector<1x128x128xf32>
    tpu.vector_store %arg12[%swap3A, %swap3A_67, %swap3A_68], %swap3A_71 {strides = array<i32>} : memref<1x128x128xf32, #tpu.memory_space<vmem>>, vector<1x128x128xf32>,
    return
  }
  func.func @transform_0(%arg0: i32, %arg1: i32) -> (i32, i32, i32) {
    %c0_i32 = arith.constant 0 : i32
    %c0_i32_0 = arith.constant 0 : i32
    return %arg0, %arg1, %c0_i32 : i32, i32, i32
  }
  func.func @transform_1(%arg0: i32, %arg1: i32) -> (i32, i32, i32) {
    %c0_i32 = arith.constant 0 : i32
    %c0_i32_0 = arith.constant 0 : i32
    return %arg0, %arg1, %c0_i32 : i32, i32, i32
  }
  func.func @transform_2(%arg0: i32, %arg1: i32) -> (i32, i32, i32) {
    %c0_i32 = arith.constant 0 : i32
    %c0_i32_0 = arith.constant 0 : i32
    return %arg0, %arg1, %c0_i32 : i32, i32, i32
  }
  func.func @transform_3(%arg0: i32, %arg1: i32) -> (i32, i32) {
    %c0_i32 = arith.constant 0 : i32
    %c0_i32_0 = arith.constant 0 : i32
    %c0_i32_1 = arith.constant 0 : i32
    return %c0_i32, %c0_i32_0 : i32, i32
  }
  func.func @transform_4(%arg0: i32, %arg1: i32) -> (i32, i32) {
    %c0_i32 = arith.constant 0 : i32
    %c0_i32_0 = arith.constant 0 : i32
    %c0_i32_1 = arith.constant 0 : i32
    return %c0_i32, %c0_i32_0 : i32, i32
  }
  func.func @transform_5(%arg0: i32, %arg1: i32) -> (i32, i32) {
    %c0_i32 = arith.constant 0 : i32
    %c0_i32_0 = arith.constant 0 : i32
    %c0_i32_1 = arith.constant 0 : i32
    return %c0_i32, %c0_i32_0 : i32, i32
  }
  func.func @transform_6(%arg0: i32, %arg1: i32) -> (i32, i32) {
    %c0_i32 = arith.constant 0 : i32
    %c0_i32_0 = arith.constant 0 : i32
    %c0_i32_1 = arith.constant 0 : i32
    return %c0_i32, %c0_i32_0 : i32, i32
  }
  func.func @transform_7(%arg0: i32, %arg1: i32) -> (i32, i32) {
    %c0_i32 = arith.constant 0 : i32
    %c0_i32_0 = arith.constant 0 : i32
    %c0_i32_1 = arith.constant 0 : i32
    return %c0_i32, %c0_i32_0 : i32, i32
  }
  func.func @transform_8(%arg0: i32, %arg1: i32) -> (i32, i32) {
    %c0_i32 = arith.constant 0 : i32
    %c0_i32_0 = arith.constant 0 : i32
    %c0_i32_1 = arith.constant 0 : i32
    return %c0_i32, %c0_i32_0 : i32, i32
  }
  func.func @transform_9(%arg0: i32, %arg1: i32) -> (i32, i32) {
    %c0_i32 = arith.constant 0 : i32
    %c0_i32_0 = arith.constant 0 : i32
    %c0_i32_1 = arith.constant 0 : i32
    return %c0_i32, %c0_i32_0 : i32, i32
  }
  func.func @transform_10(%arg0: i32, %arg1: i32) -> (i32, i32, i32) {
    %c0_i32 = arith.constant 0 : i32
    %c0_i32_0 = arith.constant 0 : i32
    return %arg0, %arg1, %c0_i32 : i32, i32, i32
  }
}

</mosaic_0001>

<sc_bundles>
// kernel: kernel.10.cloned.1.call-start
scs
__scs_entry_jumppad:
0x0: {  	(pc) =	sbr.rel $0x88, $3  }
0x1: {  	(tag) =	ssettag $0x0;
	lr =	simm.s32 $0x1  }
0x2: {  	[smem:$0x3F94] =	sst lr;
	_ =	strace $0xD0000000  }
0x3: {  	_ = 	snop  }
0x4: {  	_ = 	snop  }
0x5: {  	_ = 	snop  }
0x6: {  	_ = 	snop  }
0x7: {  	_ = 	snop  }
__scs_overlays_trampoline_lowered:
0x8: {  	[smem:$0x3FA3] =	sst s0  }
0x9: {  	[smem:$0x3FA4] =	sst s1  }
0xa: {  	[smem:$0x3FA5] =	sst s2  }
0xb: {  	[smem:$0x3FA6] =	sst s3  }
0xc: {  	[smem:$0x3FA7] =	sst s4  }
0xd: {  	[smem:$0x3FA8] =	sst s5  }
0xe: {  	[smem:$0x3FA9] =	sst s6  }
0xf: {  	[smem:$0x3FAA] =	sst s7  }
0x10: {  	[smem:$0x3FAB] =	sst s8  }
0x11: {  	[smem:$0x3FAC] =	sst s9;
	s0 =	simm.s32 @!p0 $0x0  }
0x12: {  	s1 =	sld [smem:$0x3F92];
	s0 =	simm.s32 @p0 $0x1  }
0x13: {  	[smem:$0x3FAD] =	sst s0;
	s0 =	simm.s32 @!p1 $0x0  }
0x14: {  	s2 =	sld [smem:$0x3F91];
	s0 =	simm.s32 @p1 $0x1  }
0x15: {  	[smem:$0x3FAE] =	sst s0;
	s0 =	simm.s32 @!p2 $0x0  }
0x16: {  	s3 =	sld [smem:$0x3FDB];
	s0 =	simm.s32 @p2 $0x1  }
0x17: {  	s4 =	simm.s32 $0x1BF5;
	[smem:$0x3FB0] =	sst s0  }
0x18: {  	s0 =	sld [smem:$0x3F93];
	_ =	swait.ge [sflag:s4], $0x0  }
0x19: {  	s7 =	sld [smem:$0x3F94]  }
0x1a: {  	s8 =	sadd.s32 $0xFFFFE003, lr  }
0x1b: {  	s9 =	sadd.s32 $0xFFFFFEF7, lr;
	s5 =	simm.s32 $0xFFFFFFFF;
	p2 =	slt.u32 s8, $0xFFFFF086  }
0x1c: {  	p1 =	slt.u32 s9, $0xF7A;
	s5 =	simm.s32 @!p2 $0x0  }
0x1d: {  	s5 =	simm.s32 @p1 $0x1;
	p0 =	seq.s32 s7, s2  }
0x1e: {  	s7 =	smul.u32 @!p0 $0xF7A, s2;
	p2 =	seq.s32 @!p0 s5, $0x0  }
0x1f: {  	s9 =	smul.u32 $0xF7A, s1;
	s8 =	simm.s32 @!p0 $0x1BF5;
	p2 =	por !p2, p0  }
0x20: {  	[sflag:s8] =	ssyncset.s32 @!p0 $0xFFFFF086;
	s6 =	sadd.s32 @!p0 s3, s7;
	s7 =	simm.s32 @!p0 $0x108  }
0x21: {  	s3 =	sadd.s32 s3, s9;
	s6 =	sadd.s32 @!p0 $0x88, s6;
	s7 =	simm.s32 @p2 $0x1082  }
0x22: {  	[simem:s7], [sflag:s8] =	dma.local @!p0 [hbm:s6], $0xF7A  }
0x23: {  	s9 =	sor.u32 $0xD0000000, s2;
	s6 =	simm.s32 $0x108;
	_ =	swait.ge @!p0 [sflag:s8], $0x0  }
0x24: {  	s3 =	sadd.s32 $0x88, s3;
	s6 =	simm.s32 @!p1 $0x1082;
	[sflag:s4] =	ssyncset.s32 $0xFFFFF086  }
0x25: {  	[simem:s6], [sflag:s4] =	dma.local [hbm:s3], $0xF7A  }
0x26: {  	[smem:$0x3F94] =	sst s1;
	(tag) =	ssettag s2;
	_ =	strace s9  }
0x27: {  	s1 =	sld [smem:$0x3FA4]  }
0x28: {  	s2 =	sld [smem:$0x3FA5]  }
0x29: {  	s4 =	sld [smem:$0x3FA7]  }
0x2a: {  	p0 =	seq.s32 s5, $0x0;
	s5 =	sld [smem:$0x3FA8]  }
0x2b: {  	s6 =	sld [smem:$0x3FA9]  }
0x2c: {  	s7 =	sld [smem:$0x3FAA]  }
0x2d: {  	s3 =	simm.s32 $0x108;
	s8 =	sld [smem:$0x3FAB]  }
0x2e: {  	s3 =	simm.s32 @!p0 $0x1082;
	s9 =	sld [smem:$0x3FAC]  }
0x2f: {  	lr =	sadd.s32 s0, s3;
	s0 =	sld [smem:$0x3FA3]  }
0x30: {  	s3 =	sld [smem:$0x3FA6]  }
0x31: {  	[smem:$0x3FAF] =	sst s10  }
0x32: {  	s10 =	sld [smem:$0x3FAD];
	_ =	sdelay $0x3  }
0x33: {  	p0 =	seq.s32 s10, $0x1;
	s10 =	sld [smem:$0x3FAF];
	_ =	sdelay $0x3  }
0x34: {  	[smem:$0x3FAF] =	sst s10  }
0x35: {  	s10 =	sld [smem:$0x3FAE];
	_ =	sdelay $0x3  }
0x36: {  	p1 =	seq.s32 s10, $0x1;
	s10 =	sld [smem:$0x3FAF];
	_ =	sdelay $0x3  }
0x37: {  	[smem:$0x3FAF] =	sst s10  }
0x38: {  	s10 =	sld [smem:$0x3FB0]  }
0x39: {  	_ = 	snop;
	(pc) =	sbr.ind lr, $3  }
0x3a: {  	_ = 	snop  }
0x3b: {  	_ = 	snop  }
0x3c: {  	p2 =	seq.s32 s10, $0x1;
	s10 =	sld [smem:$0x3FAF]  }
0x3d: {  	_ =	shalt  }
0x3e: {  	_ =	shalt  }
0x3f: {  	_ =	shalt  }
0x40: {  	_ =	shalt  }
0x41: {  	_ =	shalt  }
0x42: {  	_ =	shalt  }
0x43: {  	_ =	shalt  }
0x44: {  	_ =	shalt  }
0x45: {  	_ =	shalt  }
0x46: {  	_ =	shalt  }
0x47: {  	_ =	shalt  }
0x48: {  	_ =	shalt  }
0x49: {  	_ =	shalt  }
0x4a: {  	_ =	shalt  }
0x4b: {  	_ =	shalt  }
0x4c: {  	_ =	shalt  }
0x4d: {  	_ =	shalt  }
0x4e: {  	_ =	shalt  }
0x4f: {  	_ =	shalt  }
0x50: {  	_ =	shalt  }
0x51: {  	_ =	shalt  }
0x52: {  	_ =	shalt  }
0x53: {  	_ =	shalt  }
0x54: {  	_ =	shalt  }
0x55: {  	_ =	shalt  }
0x56: {  	_ =	shalt  }
0x57: {  	_ =	shalt  }
0x58: {  	_ =	shalt  }
0x59: {  	_ =	shalt  }
0x5a: {  	_ =	shalt  }
0x5b: {  	_ =	shalt  }
0x5c: {  	_ =	shalt  }
0x5d: {  	_ =	shalt  }
0x5e: {  	_ =	shalt  }
0x5f: {  	_ =	shalt  }
0x60: {  	_ =	shalt  }
0x61: {  	_ =	shalt  }
0x62: {  	_ =	shalt  }
0x63: {  	_ =	shalt  }
0x64: {  	_ =	shalt  }
0x65: {  	_ =	shalt  }
0x66: {  	_ =	shalt  }
0x67: {  	_ =	shalt  }
0x68: {  	_ =	shalt  }
0x69: {  	_ =	shalt  }
0x6a: {  	_ =	shalt  }
0x6b: {  	_ =	shalt  }
0x6c: {  	_ =	shalt  }
0x6d: {  	_ =	shalt  }
0x6e: {  	_ =	shalt  }
0x6f: {  	_ =	shalt  }
0x70: {  	_ =	shalt  }
0x71: {  	_ =	shalt  }
0x72: {  	_ =	shalt  }
0x73: {  	_ =	shalt  }
0x74: {  	_ =	shalt  }
0x75: {  	_ =	shalt  }
0x76: {  	_ =	shalt  }
0x77: {  	_ =	shalt  }
0x78: {  	_ =	shalt  }
0x79: {  	_ =	shalt  }
0x7a: {  	_ =	shalt  }
0x7b: {  	_ =	shalt  }
0x7c: {  	_ =	shalt  }
0x7d: {  	_ =	shalt  }
0x7e: {  	_ =	shalt  }
0x7f: {  	_ =	shalt  }
0x80: {  	_ =	shalt  }
0x81: {  	_ =	shalt  }
0x82: {  	_ =	shalt  }
0x83: {  	_ =	shalt  }
0x84: {  	_ =	shalt  }
0x85: {  	_ =	shalt  }
0x86: {  	_ =	shalt  }
0x87: {  	_ =	shalt  }
.Lfunc_end0:
.L_simem_size_0:
called_computation_lowered:
.L_overlay_start_0:
0x88: {  	s2 =	sld [smem:$0x3FD9]  }
0x89: {  	s3 =	sld [smem:$0x3FFE];
	_ =	sdelay $0x1  }
0x8a: {  	s1 =	srdreg.scid  }
0x8b: {  	s0 =	sand.u32 $0x1, s1  }
0x8c: {  	s16 =	sshll.u32 s0, $0xA;
	s2 =	sadd.s32 s3, s2  }
0x8d: {  	s2 =	sadd.s32 s2, s16  }
0x8e: {  	[smem:$0x3FBB] =	sst s2  }
0x8f: {  	_ = 	snop  }
0x90: {  	(tm) =	ssettm $0x1  }
0x91: {  	s17 =	sld [smem:$0x3FFB];
	_ =	sdelay $0x3  }
0x92: {  	_ =	strace s17  }
0x93: {  	s2 =	sld [smem:$0x3FFC];
	_ =	sdelay $0x3  }
0x94: {  	_ =	strace s2  }
0x95: {  	s2 =	sld [smem:$0x3FFD];
	_ =	sdelay $0x3  }
0x96: {  	_ =	strace s2  }
0x97: {  	_ =	strace $0x8FFFFFFF  }
0x98: {  	s18 =	sld [smem:$0x3FDB];
	_ =	sdelay $0x1  }
0x99: {  	s19 =	simm.s32 $_scs_section_size  }
0x9a: {  	s4 =	simm.s32 $_size__tile_overlayer_lowered;
	s5 =	simm.s32 $_tile_overlayer_lowered  }
0x9b: {  	s22 =	simm.s32 $0x1BFF;
	s21 =	sshll.u32 s5, $0x1;
	s2 =	sadd.s32 s19, s18  }
0x9c: {  	s6 =	simm.s32 $0x0;
	s20 =	sshll.u32 s4, $0x1;
	s4 =	sadd.s32 s21, s2  }
0x9d: {  	[timem:s6], [sflag:s22] =	dma.local [hbm:s4], s20  }
0x9e: {  	_ =	swait.ge [sflag:s22], s20  }
0x9f: {  	s3 =	ssub.s32 $0x0, s20;
	[sflag:s22] =	ssyncset.done $0x0  }
0xa0: {  	[sflag:s22] =	ssyncadd.s32 s3;
	_ =	sdelay $0x1  }
0xa1: {  	s23 =	simm.s32 $0x1B8B  }
0xa2: {  	_ =	swait.ge [sflag:s23], $0x1  }
0xa3: {  	[sflag:s23] =	ssyncset.done $0x0  }
0xa4: {  	s25 =	simm.s32 $0x1B8E;
	s24 =	sld [smem:$0x3FFE];
	[sflag:s23] =	ssyncadd.s32 $0xFFFFFFFF  }
0xa5: {  	s26 =	simm.s32 $execute0_lowered;
	[smem:$0x3FD2] =	sst s25  }
0xa6: {  	s4 =	sshll.u32 s26, $0x1;
	_ =	strace $0x80000046;
	[dreg:$0x1] =	wrdreg $0xFFFFFFFF  }
0xa7: {  	s28 =	simm.s32 $_size_execute0_lowered;
	s2 =	sadd.s32 s2, s4;
	[dreg:$0x0] =	wrdreg $0x0  }
0xa8: {  	s4 =	sshll.u32 s28, $0x1;
	[dreg:$0x2] =	wrdreg s2  }
0xa9: {  	[dreg:$0x3] =	wrdreg s4  }
0xaa: {  	[dreg:$0x4] =	wrdreg $0xC0  }
0xab: {  	_ =	task [dreg:s6], $0x5FFFF  }
0xac: {  	[dreg:$0x1] =	wrdreg $0xFFFFFFFF  }
0xad: {  	[dreg:$0x0] =	wrdreg $0x60  }
0xae: {  	[dreg:$0x2] =	wrdreg s24  }
0xaf: {  	[dreg:$0x3] =	wrdreg $0x9  }
0xb0: {  	_ =	task.clear_ibuf [dreg:s6], $0x4FFFF;
	_ =	strace $0x90000046  }
0xb1: {  	s29 =	simm.s32 $0x9;
	_ =	strace $0x80000048  }
0xb2: {  	_ =	swait.ge [sflag:s29], $0x1  }
0xb3: {  	[sflag:s29] =	ssyncadd.s32 $0xFFFFFFFF  }
0xb4: {  	_ =	strace $0x90000048  }
0xb5: {  	_ =	sfence  }
0xb6: {  	s30 =	sld [smem:$0x0];
	_ =	sdelay $0x2  }
0xb7: {  	s31 =	sshll.u32 s1, $0xD;
	s1 =	sshrl.u32 s1, $0x2  }
0xb8: {  	s3 =	sand.u32 $0x4000, s31;
	s1 =	sadd.s32 s1, s30  }
0xb9: {  	s0 =	sor.u32 s3, s0;
	s1 =	sshll.u32 s1, $0x11  }
0xba: {  	s0 =	sor.u32 s1, s0  }
0xbb: {  	s0 =	sadd.s32 $0x8F2B, s0  }
0xbc: {  	[sflag:s0] =	ssyncadd.remote.s32 $0x1  }
0xbd: {  	_ =	sfence.sel $0xFFFF  }
0xbe: {  	[dreg:$0x0] =	wrdreg $0xFFFFFFFF;
	(pc) =	sbr.abs _section_cstart, $3  }
0xbf: {  	[dreg:$0x1] =	wrdreg $0xFFFFFFFF  }
0xc0: {  	_ =	task.clear_ibuf [dreg:s6], $0x2FFFF;
	_ =	strace $0x9FFFFFFF  }
0xc1: {  	(tm) =	ssettm $0x7FFFFFFF  }
tec
execute0_lowered:
.L_overlay_start_1:
0x0: {  	(tag) =	ssettag $0x1  }
0x1: {  	s2 =	rddreg [dreg:$0x0]  }
0x2: {  	s0 =	rddreg [dreg:$0x1];
	s4 =	srdreg.scid  }
0x3: {  	s3 =	simm.s32 $0x0;
	s1 =	stileid.u32;
	s10 =	simm.s32 $0x0  }
0x4: {  	s4 =	sand.u32 $0x1, s4;
	[smem:$0x7FF] =	sst s3;
	s5 =	sshll.u32 s1, $0xF  }
0x5: {  	s7 =	sshll.u32 s1, $0x13;
	s6 =	sshll.u32 s4, $0xE;
	_ =	strace $0x80000047  }
0x6: {  	s29 =	ssub.s32 $0x2, s4;
	s7 =	sadd.s32 s7, s2;
	s30 =	sshll.u32 s4, $0x12  }
0x7: {  	s5 =	sor.u32 s6, s5;
	s8 =	sshrl.u32 s29, $0x1;
	s31 =	sadd.s32 s30, s7  }
0x8: {  	s7 =	simm.s32 $0x2;
	s5 =	sshrl.u32 s5, $0x3;
	s6 =	ssub.s32 s29, s8  }
0x9: {  	s8 =	simm.s32 $0x200;
	s9 =	sadd.s32 s5, s2;
	s4 =	smax.u32 s6, $0x1  }
0xa: {  	s5 =	sadd.s32 $0x860C00, s31;
	s6 =	sadd.s32 $0x60C00, s9;
	s9 =	simm.s32 $0x1  }
.LBB2_1:
0xb: {  	s11 =	sadd.s32 $0x0, s6  }
0xc: {  	[tilespmem:s3], [sflag:$0x2] =	stream.linear.gather [hbm4b:s11+s3], $0x200, $0x38;
	[tilespmem:$0x10200] =	vst v63  }
0xd: {  	_ =	swait.ge [sflag:s7], $0x200  }
0xe: {  	[sflag:s7] =	ssyncset.done $0x0  }
0xf: {  	[sflag:s7] =	ssyncadd.s32 $0xFFFFFE00  }
0x10: {  	[tilespmem:s8], [sflag:$0x1] =	stream.indirect.gather [hbm4b:s2+s8], $0x80, s3, s8, $0xb8;
	[tilespmem:$0x10200] =	vst v63  }
0x11: {  	_ =	swait.ge [sflag:s9], $0x10000  }
0x12: {  	[sflag:s9] =	ssyncset.done $0x0  }
0x13: {  	[sflag:s9] =	ssyncadd.s32 $0xFFFF0000  }
0x14: {  	[hbm4b:s5+s3] =	stream.linear.scatter [tilespmem:s8], [sflag:$0x2], $0x10000, $0x38;
	[tilespmem:$0x10200] =	vst v63  }
0x15: {  	s12 =	simm.s32 $0x40;
	_ =	swait.ge [sflag:s7], $0x10000  }
0x16: {  	s13 =	simm.s32 $0x80;
	s11 =	sadd.s32 $0x2000, s5;
	[sflag:s7] =	ssyncset.done $0x0  }
.LBB2_2:
0x17: {  	s14 =	sadd.s32 s12, s6  }
0x18: {  	[sflag:s7] =	ssyncadd.s32 $0xFFFF0000;
	s12 =	smov.u32 s13;
	s15 =	sadd.s32 $0x40, s13  }
0x19: {  	[tilespmem:s3], [sflag:$0x2] =	stream.linear.gather [hbm4b:s14+s3], $0x200, $0x38;
	[tilespmem:$0x10200] =	vst v63  }
0x1a: {  	p0 =	sne.s32 s13, $0x7C0;
	_ =	swait.ge [sflag:s7], $0x200  }
0x1b: {  	[sflag:s7] =	ssyncset.done $0x0  }
0x1c: {  	[sflag:s7] =	ssyncadd.s32 $0xFFFFFE00  }
0x1d: {  	[tilespmem:s8], [sflag:$0x1] =	stream.indirect.gather [hbm4b:s2+s8], $0x80, s3, s8, $0xb8;
	[tilespmem:$0x10200] =	vst v63  }
0x1e: {  	_ =	swait.ge [sflag:s9], $0x10000  }
.Ltmp0:
0x1f: {  	[sflag:s9] =	ssyncset.done $0x0;
	(pc) =	sbr.rel @p0 .LBB2_2-.Ltmp0, $4  }
0x20: {  	[sflag:s9] =	ssyncadd.s32 $0xFFFF0000  }
0x21: {  	[hbm4b:s11+s3] =	stream.linear.scatter [tilespmem:s8], [sflag:$0x2], $0x10000, $0x38;
	[tilespmem:$0x10200] =	vst v63  }
0x22: {  	_ =	swait.ge [sflag:s7], $0x10000  }
0x23: {  	s13 =	smov.u32 s15;
	s11 =	sadd.s32 $0x2000, s11;
	[sflag:s7] =	ssyncset.done $0x0  }
0x24: {  	s12 =	sadd.s32 s12, s6;
	[sflag:s7] =	ssyncadd.s32 $0xFFFF0000  }
0x25: {  	[tilespmem:s3], [sflag:$0x2] =	stream.linear.gather [hbm4b:s12+s3], $0x200, $0x38;
	[tilespmem:$0x10200] =	vst v63  }
0x26: {  	_ =	swait.ge [sflag:s7], $0x200  }
0x27: {  	[sflag:s7] =	ssyncset.done $0x0  }
0x28: {  	[sflag:s7] =	ssyncadd.s32 $0xFFFFFE00  }
0x29: {  	[tilespmem:s8], [sflag:$0x1] =	stream.indirect.gather [hbm4b:s2+s8], $0x80, s3, s8, $0xb8;
	[tilespmem:$0x10200] =	vst v63  }
0x2a: {  	s10 =	sadd.s32 $0x1, s10;
	_ =	swait.ge [sflag:s9], $0x10000  }
0x2b: {  	p0 =	sne.s32 s10, s4;
	[sflag:s9] =	ssyncset.done $0x0  }
.Ltmp1:
0x2c: {  	[sflag:s9] =	ssyncadd.s32 $0xFFFF0000;
	(pc) =	sbr.rel @p0 .LBB2_1-.Ltmp1, $4  }
0x2d: {  	[hbm4b:s11+s3] =	stream.linear.scatter [tilespmem:s8], [sflag:$0x2], $0x10000, $0x38;
	[tilespmem:$0x10200] =	vst v63  }
0x2e: {  	_ =	swait.ge [sflag:s7], $0x10000  }
0x2f: {  	[sflag:s7] =	ssyncset.done $0x0  }
0x30: {  	[sflag:s7] =	ssyncadd.s32 $0xFFFF0000  }
0x31: {  	_ =	sfence.sel $0x180000  }
0x32: {  	[bflag:$0x0] =	sbarrier.arrive $0xFFFF  }
0x33: {  	p0 =	sne.s32 s1, $0x0;
	_ =	strace $0x90000047  }
0x34: {  	s0 =	sadd.s32 @!p0 $0x100000, s0;
	[bflag:$0x2] =	sbarrier.arrive $0xFFFF  }
0x35: {  	[sflag:s0] =	ssyncadd.tile.s32 @!p0 $0x1;
	_ =	shalt  }
.Lfunc_end2:
_tile_overlayer_lowered:
.L_overlay_start_2:
0x36: {  	(tag) =	ssettag $0x2  }
0x37: {  	s0 =	rddreg [dreg:$0x0];
	s2 =	stileid.u32  }
0x38: {  	s1 =	rddreg [dreg:$0x1];
	p0 =	sne.s32 s2, $0x0  }
0x39: {  	s3 =	rddreg [dreg:$0x2];
	[bflag:$0x3] =	sbarrier.arrive $0xFFFF;
	s2 =	simm.s32 @!p0 $0x1C02  }
0x3a: {  	[timem:s3], [sflag:s2] =	dma.local @!p0 [hbm:s0], s1  }
0x3b: {  	s0 =	simm.s32 @!p0 $0x2  }
0x3c: {  	_ =	swait.ge @!p0 [sflag:s0], s1  }
0x3d: {  	s1 =	ssub.s32 @!p0 $0x0, s1;
	[sflag:s0] =	ssyncset.done @!p0 $0x0  }
0x3e: {  	[sflag:s0] =	ssyncadd.s32 @!p0 s1  }
0x3f: {  	[bflag:$0x3] =	sbarrier.arrive $0xFFFF  }
0x40: {  	_ =	shalt  }

// kernel: kernel.13.cloned.1.call-start
scs
__scs_entry_jumppad:
0x0: {  	(pc) =	sbr.rel $0x88, $3  }
0x1: {  	(tag) =	ssettag $0x0;
	lr =	simm.s32 $0x1  }
0x2: {  	[smem:$0x3F94] =	sst lr;
	_ =	strace $0xD0000000  }
0x3: {  	_ = 	snop  }
0x4: {  	_ = 	snop  }
0x5: {  	_ = 	snop  }
0x6: {  	_ = 	snop  }
0x7: {  	_ = 	snop  }
__scs_overlays_trampoline_lowered:
0x8: {  	[smem:$0x3FA3] =	sst s0  }
0x9: {  	[smem:$0x3FA4] =	sst s1  }
0xa: {  	[smem:$0x3FA5] =	sst s2  }
0xb: {  	[smem:$0x3FA6] =	sst s3  }
0xc: {  	[smem:$0x3FA7] =	sst s4  }
0xd: {  	[smem:$0x3FA8] =	sst s5  }
0xe: {  	[smem:$0x3FA9] =	sst s6  }
0xf: {  	[smem:$0x3FAA] =	sst s7  }
0x10: {  	[smem:$0x3FAB] =	sst s8  }
0x11: {  	[smem:$0x3FAC] =	sst s9;
	s0 =	simm.s32 @!p0 $0x0  }
0x12: {  	s1 =	sld [smem:$0x3F92];
	s0 =	simm.s32 @p0 $0x1  }
0x13: {  	[smem:$0x3FAD] =	sst s0;
	s0 =	simm.s32 @!p1 $0x0  }
0x14: {  	s2 =	sld [smem:$0x3F91];
	s0 =	simm.s32 @p1 $0x1  }
0x15: {  	[smem:$0x3FAE] =	sst s0;
	s0 =	simm.s32 @!p2 $0x0  }
0x16: {  	s3 =	sld [smem:$0x3FDB];
	s0 =	simm.s32 @p2 $0x1  }
0x17: {  	s4 =	simm.s32 $0x1BF5;
	[smem:$0x3FB0] =	sst s0  }
0x18: {  	s0 =	sld [smem:$0x3F93];
	_ =	swait.ge [sflag:s4], $0x0  }
0x19: {  	s7 =	sld [smem:$0x3F94]  }
0x1a: {  	s8 =	sadd.s32 $0xFFFFE003, lr  }
0x1b: {  	s9 =	sadd.s32 $0xFFFFFEF7, lr;
	s5 =	simm.s32 $0xFFFFFFFF;
	p2 =	slt.u32 s8, $0xFFFFF086  }
0x1c: {  	p1 =	slt.u32 s9, $0xF7A;
	s5 =	simm.s32 @!p2 $0x0  }
0x1d: {  	s5 =	simm.s32 @p1 $0x1;
	p0 =	seq.s32 s7, s2  }
0x1e: {  	s7 =	smul.u32 @!p0 $0xF7A, s2;
	p2 =	seq.s32 @!p0 s5, $0x0  }
0x1f: {  	s9 =	smul.u32 $0xF7A, s1;
	s8 =	simm.s32 @!p0 $0x1BF5;
	p2 =	por !p2, p0  }
0x20: {  	[sflag:s8] =	ssyncset.s32 @!p0 $0xFFFFF086;
	s6 =	sadd.s32 @!p0 s3, s7;
	s7 =	simm.s32 @!p0 $0x108  }
0x21: {  	s3 =	sadd.s32 s3, s9;
	s6 =	sadd.s32 @!p0 $0x88, s6;
	s7 =	simm.s32 @p2 $0x1082  }
0x22: {  	[simem:s7], [sflag:s8] =	dma.local @!p0 [hbm:s6], $0xF7A  }
0x23: {  	s9 =	sor.u32 $0xD0000000, s2;
	s6 =	simm.s32 $0x108;
	_ =	swait.ge @!p0 [sflag:s8], $0x0  }
0x24: {  	s3 =	sadd.s32 $0x88, s3;
	s6 =	simm.s32 @!p1 $0x1082;
	[sflag:s4] =	ssyncset.s32 $0xFFFFF086  }
0x25: {  	[simem:s6], [sflag:s4] =	dma.local [hbm:s3], $0xF7A  }
0x26: {  	[smem:$0x3F94] =	sst s1;
	(tag) =	ssettag s2;
	_ =	strace s9  }
0x27: {  	s1 =	sld [smem:$0x3FA4]  }
0x28: {  	s2 =	sld [smem:$0x3FA5]  }
0x29: {  	s4 =	sld [smem:$0x3FA7]  }
0x2a: {  	p0 =	seq.s32 s5, $0x0;
	s5 =	sld [smem:$0x3FA8]  }
0x2b: {  	s6 =	sld [smem:$0x3FA9]  }
0x2c: {  	s7 =	sld [smem:$0x3FAA]  }
0x2d: {  	s3 =	simm.s32 $0x108;
	s8 =	sld [smem:$0x3FAB]  }
0x2e: {  	s3 =	simm.s32 @!p0 $0x1082;
	s9 =	sld [smem:$0x3FAC]  }
0x2f: {  	lr =	sadd.s32 s0, s3;
	s0 =	sld [smem:$0x3FA3]  }
0x30: {  	s3 =	sld [smem:$0x3FA6]  }
0x31: {  	[smem:$0x3FAF] =	sst s10  }
0x32: {  	s10 =	sld [smem:$0x3FAD];
	_ =	sdelay $0x3  }
0x33: {  	p0 =	seq.s32 s10, $0x1;
	s10 =	sld [smem:$0x3FAF];
	_ =	sdelay $0x3  }
0x34: {  	[smem:$0x3FAF] =	sst s10  }
0x35: {  	s10 =	sld [smem:$0x3FAE];
	_ =	sdelay $0x3  }
0x36: {  	p1 =	seq.s32 s10, $0x1;
	s10 =	sld [smem:$0x3FAF];
	_ =	sdelay $0x3  }
0x37: {  	[smem:$0x3FAF] =	sst s10  }
0x38: {  	s10 =	sld [smem:$0x3FB0]  }
0x39: {  	_ = 	snop;
	(pc) =	sbr.ind lr, $3  }
0x3a: {  	_ = 	snop  }
0x3b: {  	_ = 	snop  }
0x3c: {  	p2 =	seq.s32 s10, $0x1;
	s10 =	sld [smem:$0x3FAF]  }
0x3d: {  	_ =	shalt  }
0x3e: {  	_ =	shalt  }
0x3f: {  	_ =	shalt  }
0x40: {  	_ =	shalt  }
0x41: {  	_ =	shalt  }
0x42: {  	_ =	shalt  }
0x43: {  	_ =	shalt  }
0x44: {  	_ =	shalt  }
0x45: {  	_ =	shalt  }
0x46: {  	_ =	shalt  }
0x47: {  	_ =	shalt  }
0x48: {  	_ =	shalt  }
0x49: {  	_ =	shalt  }
0x4a: {  	_ =	shalt  }
0x4b: {  	_ =	shalt  }
0x4c: {  	_ =	shalt  }
0x4d: {  	_ =	shalt  }
0x4e: {  	_ =	shalt  }
0x4f: {  	_ =	shalt  }
0x50: {  	_ =	shalt  }
0x51: {  	_ =	shalt  }
0x52: {  	_ =	shalt  }
0x53: {  	_ =	shalt  }
0x54: {  	_ =	shalt  }
0x55: {  	_ =	shalt  }
0x56: {  	_ =	shalt  }
0x57: {  	_ =	shalt  }
0x58: {  	_ =	shalt  }
0x59: {  	_ =	shalt  }
0x5a: {  	_ =	shalt  }
0x5b: {  	_ =	shalt  }
0x5c: {  	_ =	shalt  }
0x5d: {  	_ =	shalt  }
0x5e: {  	_ =	shalt  }
0x5f: {  	_ =	shalt  }
0x60: {  	_ =	shalt  }
0x61: {  	_ =	shalt  }
0x62: {  	_ =	shalt  }
0x63: {  	_ =	shalt  }
0x64: {  	_ =	shalt  }
0x65: {  	_ =	shalt  }
0x66: {  	_ =	shalt  }
0x67: {  	_ =	shalt  }
0x68: {  	_ =	shalt  }
0x69: {  	_ =	shalt  }
0x6a: {  	_ =	shalt  }
0x6b: {  	_ =	shalt  }
0x6c: {  	_ =	shalt  }
0x6d: {  	_ =	shalt  }
0x6e: {  	_ =	shalt  }
0x6f: {  	_ =	shalt  }
0x70: {  	_ =	shalt  }
0x71: {  	_ =	shalt  }
0x72: {  	_ =	shalt  }
0x73: {  	_ =	shalt  }
0x74: {  	_ =	shalt  }
0x75: {  	_ =	shalt  }
0x76: {  	_ =	shalt  }
0x77: {  	_ =	shalt  }
0x78: {  	_ =	shalt  }
0x79: {  	_ =	shalt  }
0x7a: {  	_ =	shalt  }
0x7b: {  	_ =	shalt  }
0x7c: {  	_ =	shalt  }
0x7d: {  	_ =	shalt  }
0x7e: {  	_ =	shalt  }
0x7f: {  	_ =	shalt  }
0x80: {  	_ =	shalt  }
0x81: {  	_ =	shalt  }
0x82: {  	_ =	shalt  }
0x83: {  	_ =	shalt  }
0x84: {  	_ =	shalt  }
0x85: {  	_ =	shalt  }
0x86: {  	_ =	shalt  }
0x87: {  	_ =	shalt  }
.Lfunc_end0:
.L_simem_size_0:
called_computation.1_lowered:
.L_overlay_start_0:
0x88: {  	s2 =	sld [smem:$0x3FD9]  }
0x89: {  	s3 =	sld [smem:$0x3FFE];
	_ =	sdelay $0x1  }
0x8a: {  	s1 =	srdreg.scid  }
0x8b: {  	s0 =	sand.u32 $0x1, s1  }
0x8c: {  	s16 =	sshll.u32 s0, $0xA;
	s2 =	sadd.s32 s3, s2  }
0x8d: {  	s2 =	sadd.s32 s2, s16  }
0x8e: {  	[smem:$0x3FBB] =	sst s2  }
0x8f: {  	_ = 	snop  }
0x90: {  	(tm) =	ssettm $0x1  }
0x91: {  	s17 =	sld [smem:$0x3FFB];
	_ =	sdelay $0x3  }
0x92: {  	_ =	strace s17  }
0x93: {  	s2 =	sld [smem:$0x3FFC];
	_ =	sdelay $0x3  }
0x94: {  	_ =	strace s2  }
0x95: {  	s2 =	sld [smem:$0x3FFD];
	_ =	sdelay $0x3  }
0x96: {  	_ =	strace s2  }
0x97: {  	_ =	strace $0x8FFFFFFF  }
0x98: {  	s18 =	sld [smem:$0x3FDB];
	_ =	sdelay $0x1  }
0x99: {  	s19 =	simm.s32 $_scs_section_size  }
0x9a: {  	s4 =	simm.s32 $_size__tile_overlayer_lowered;
	s5 =	simm.s32 $_tile_overlayer_lowered  }
0x9b: {  	s22 =	simm.s32 $0x1BFF;
	s21 =	sshll.u32 s5, $0x1;
	s2 =	sadd.s32 s19, s18  }
0x9c: {  	s6 =	simm.s32 $0x0;
	s20 =	sshll.u32 s4, $0x1;
	s4 =	sadd.s32 s21, s2  }
0x9d: {  	[timem:s6], [sflag:s22] =	dma.local [hbm:s4], s20  }
0x9e: {  	_ =	swait.ge [sflag:s22], s20  }
0x9f: {  	s3 =	ssub.s32 $0x0, s20;
	[sflag:s22] =	ssyncset.done $0x0  }
0xa0: {  	[sflag:s22] =	ssyncadd.s32 s3;
	_ =	sdelay $0x1  }
0xa1: {  	s23 =	simm.s32 $0x1B8B  }
0xa2: {  	_ =	swait.ge [sflag:s23], $0x1  }
0xa3: {  	[sflag:s23] =	ssyncset.done $0x0  }
0xa4: {  	s25 =	simm.s32 $0x1B8E;
	s24 =	sld [smem:$0x3FFE];
	[sflag:s23] =	ssyncadd.s32 $0xFFFFFFFF  }
0xa5: {  	s26 =	simm.s32 $execute0_lowered;
	[smem:$0x3FD2] =	sst s25  }
0xa6: {  	s4 =	sshll.u32 s26, $0x1;
	_ =	strace $0x80000049;
	[dreg:$0x1] =	wrdreg $0xFFFFFFFF  }
0xa7: {  	s28 =	simm.s32 $_size_execute0_lowered;
	s2 =	sadd.s32 s2, s4;
	[dreg:$0x0] =	wrdreg $0x0  }
0xa8: {  	s4 =	sshll.u32 s28, $0x1;
	[dreg:$0x2] =	wrdreg s2  }
0xa9: {  	[dreg:$0x3] =	wrdreg s4  }
0xaa: {  	[dreg:$0x4] =	wrdreg $0xC0  }
0xab: {  	_ =	task [dreg:s6], $0x5FFFF  }
0xac: {  	[dreg:$0x1] =	wrdreg $0xFFFFFFFF  }
0xad: {  	[dreg:$0x0] =	wrdreg $0x60  }
0xae: {  	[dreg:$0x2] =	wrdreg s24  }
0xaf: {  	[dreg:$0x3] =	wrdreg $0x9  }
0xb0: {  	_ =	task.clear_ibuf [dreg:s6], $0x4FFFF;
	_ =	strace $0x90000049  }
0xb1: {  	s29 =	simm.s32 $0x9;
	_ =	strace $0x8000004B  }
0xb2: {  	_ =	swait.ge [sflag:s29], $0x1  }
0xb3: {  	[sflag:s29] =	ssyncadd.s32 $0xFFFFFFFF  }
0xb4: {  	_ =	strace $0x9000004B  }
0xb5: {  	_ =	sfence  }
0xb6: {  	s30 =	sld [smem:$0x0];
	_ =	sdelay $0x2  }
0xb7: {  	s31 =	sshll.u32 s1, $0xD;
	s1 =	sshrl.u32 s1, $0x2  }
0xb8: {  	s3 =	sand.u32 $0x4000, s31;
	s1 =	sadd.s32 s1, s30  }
0xb9: {  	s0 =	sor.u32 s3, s0;
	s1 =	sshll.u32 s1, $0x11  }
0xba: {  	s0 =	sor.u32 s1, s0  }
0xbb: {  	s0 =	sadd.s32 $0x8F2B, s0  }
0xbc: {  	[sflag:s0] =	ssyncadd.remote.s32 $0x1  }
0xbd: {  	_ =	sfence.sel $0xFFFF  }
0xbe: {  	[dreg:$0x0] =	wrdreg $0xFFFFFFFF;
	(pc) =	sbr.abs _section_cstart, $3  }
0xbf: {  	[dreg:$0x1] =	wrdreg $0xFFFFFFFF  }
0xc0: {  	_ =	task.clear_ibuf [dreg:s6], $0x2FFFF;
	_ =	strace $0x9FFFFFFF  }
0xc1: {  	(tm) =	ssettm $0x7FFFFFFF  }
tec
execute0_lowered:
.L_overlay_start_1:
0x0: {  	(tag) =	ssettag $0x1  }
0x1: {  	s2 =	rddreg [dreg:$0x0]  }
0x2: {  	s0 =	rddreg [dreg:$0x1];
	s4 =	srdreg.scid  }
0x3: {  	s3 =	simm.s32 $0x0;
	s1 =	stileid.u32;
	s10 =	simm.s32 $0x0  }
0x4: {  	s4 =	sand.u32 $0x1, s4;
	[smem:$0x7FF] =	sst s3;
	s5 =	sshll.u32 s1, $0xD  }
0x5: {  	s7 =	sshll.u32 s1, $0x11;
	s6 =	sshll.u32 s4, $0xC;
	_ =	strace $0x8000004A  }
0x6: {  	s29 =	ssub.s32 $0x2, s4;
	s7 =	sadd.s32 s7, s2;
	s30 =	sshll.u32 s4, $0x10  }
0x7: {  	s5 =	sor.u32 s6, s5;
	s8 =	sshrl.u32 s29, $0x1;
	s31 =	sadd.s32 s30, s7  }
0x8: {  	s7 =	simm.s32 $0x2;
	s5 =	sshrl.u32 s5, $0x3;
	s6 =	ssub.s32 s29, s8  }
0x9: {  	s8 =	simm.s32 $0x200;
	s9 =	sadd.s32 s5, s2;
	s4 =	smax.u32 s6, $0x1  }
0xa: {  	s5 =	sadd.s32 $0xF4C00, s31;
	s6 =	sadd.s32 $0xF0C00, s9;
	s9 =	simm.s32 $0x1  }
.LBB2_1:
0xb: {  	s11 =	sadd.s32 $0x0, s6  }
0xc: {  	[tilespmem:s3], [sflag:$0x2] =	stream.linear.gather [hbm4b:s11+s3], $0x200, $0x38;
	[tilespmem:$0x10200] =	vst v63  }
0xd: {  	_ =	swait.ge [sflag:s7], $0x200  }
0xe: {  	[sflag:s7] =	ssyncset.done $0x0  }
0xf: {  	[sflag:s7] =	ssyncadd.s32 $0xFFFFFE00  }
0x10: {  	[tilespmem:s8], [sflag:$0x1] =	stream.indirect.gather [hbm4b:s2+s8], $0x80, s3, s8, $0xb8;
	[tilespmem:$0x10200] =	vst v63  }
0x11: {  	_ =	swait.ge [sflag:s9], $0x10000  }
0x12: {  	[sflag:s9] =	ssyncset.done $0x0  }
0x13: {  	[sflag:s9] =	ssyncadd.s32 $0xFFFF0000  }
0x14: {  	[hbm4b:s5+s3] =	stream.linear.scatter [tilespmem:s8], [sflag:$0x2], $0x10000, $0x38;
	[tilespmem:$0x10200] =	vst v63  }
0x15: {  	s12 =	simm.s32 $0x40;
	_ =	swait.ge [sflag:s7], $0x10000  }
0x16: {  	s13 =	simm.s32 $0x80;
	s11 =	sadd.s32 $0x2000, s5;
	[sflag:s7] =	ssyncset.done $0x0  }
.LBB2_2:
0x17: {  	s14 =	sadd.s32 s12, s6  }
0x18: {  	[sflag:s7] =	ssyncadd.s32 $0xFFFF0000;
	s12 =	smov.u32 s13;
	s15 =	sadd.s32 $0x40, s13  }
0x19: {  	[tilespmem:s3], [sflag:$0x2] =	stream.linear.gather [hbm4b:s14+s3], $0x200, $0x38;
	[tilespmem:$0x10200] =	vst v63  }
0x1a: {  	p0 =	sne.s32 s13, $0x1C0;
	_ =	swait.ge [sflag:s7], $0x200  }
0x1b: {  	[sflag:s7] =	ssyncset.done $0x0  }
0x1c: {  	[sflag:s7] =	ssyncadd.s32 $0xFFFFFE00  }
0x1d: {  	[tilespmem:s8], [sflag:$0x1] =	stream.indirect.gather [hbm4b:s2+s8], $0x80, s3, s8, $0xb8;
	[tilespmem:$0x10200] =	vst v63  }
0x1e: {  	_ =	swait.ge [sflag:s9], $0x10000  }
.Ltmp0:
0x1f: {  	[sflag:s9] =	ssyncset.done $0x0;
	(pc) =	sbr.rel @p0 .LBB2_2-.Ltmp0, $4  }
0x20: {  	[sflag:s9] =	ssyncadd.s32 $0xFFFF0000  }
0x21: {  	[hbm4b:s11+s3] =	stream.linear.scatter [tilespmem:s8], [sflag:$0x2], $0x10000, $0x38;
	[tilespmem:$0x10200] =	vst v63  }
0x22: {  	_ =	swait.ge [sflag:s7], $0x10000  }
0x23: {  	s13 =	smov.u32 s15;
	s11 =	sadd.s32 $0x2000, s11;
	[sflag:s7] =	ssyncset.done $0x0  }
0x24: {  	s12 =	sadd.s32 s12, s6;
	[sflag:s7] =	ssyncadd.s32 $0xFFFF0000  }
0x25: {  	[tilespmem:s3], [sflag:$0x2] =	stream.linear.gather [hbm4b:s12+s3], $0x200, $0x38;
	[tilespmem:$0x10200] =	vst v63  }
0x26: {  	_ =	swait.ge [sflag:s7], $0x200  }
0x27: {  	[sflag:s7] =	ssyncset.done $0x0  }
0x28: {  	[sflag:s7] =	ssyncadd.s32 $0xFFFFFE00  }
0x29: {  	[tilespmem:s8], [sflag:$0x1] =	stream.indirect.gather [hbm4b:s2+s8], $0x80, s3, s8, $0xb8;
	[tilespmem:$0x10200] =	vst v63  }
0x2a: {  	s10 =	sadd.s32 $0x1, s10;
	_ =	swait.ge [sflag:s9], $0x10000  }
0x2b: {  	p0 =	sne.s32 s10, s4;
	[sflag:s9] =	ssyncset.done $0x0  }
.Ltmp1:
0x2c: {  	[sflag:s9] =	ssyncadd.s32 $0xFFFF0000;
	(pc) =	sbr.rel @p0 .LBB2_1-.Ltmp1, $4  }
0x2d: {  	[hbm4b:s11+s3] =	stream.linear.scatter [tilespmem:s8], [sflag:$0x2], $0x10000, $0x38;
	[tilespmem:$0x10200] =	vst v63  }
0x2e: {  	_ =	swait.ge [sflag:s7], $0x10000  }
0x2f: {  	[sflag:s7] =	ssyncset.done $0x0  }
0x30: {  	[sflag:s7] =	ssyncadd.s32 $0xFFFF0000  }
0x31: {  	_ =	sfence.sel $0x180000  }
0x32: {  	[bflag:$0x0] =	sbarrier.arrive $0xFFFF  }
0x33: {  	p0 =	sne.s32 s1, $0x0;
	_ =	strace $0x9000004A  }
0x34: {  	s0 =	sadd.s32 @!p0 $0x100000, s0;
	[bflag:$0x2] =	sbarrier.arrive $0xFFFF  }
0x35: {  	[sflag:s0] =	ssyncadd.tile.s32 @!p0 $0x1;
	_ =	shalt  }
.Lfunc_end2:
_tile_overlayer_lowered:
.L_overlay_start_2:
0x36: {  	(tag) =	ssettag $0x2  }
0x37: {  	s0 =	rddreg [dreg:$0x0];
	s2 =	stileid.u32  }
0x38: {  	s1 =	rddreg [dreg:$0x1];
	p0 =	sne.s32 s2, $0x0  }
0x39: {  	s3 =	rddreg [dreg:$0x2];
	[bflag:$0x3] =	sbarrier.arrive $0xFFFF;
	s2 =	simm.s32 @!p0 $0x1C02  }
0x3a: {  	[timem:s3], [sflag:s2] =	dma.local @!p0 [hbm:s0], s1  }
0x3b: {  	s0 =	simm.s32 @!p0 $0x2  }
0x3c: {  	_ =	swait.ge @!p0 [sflag:s0], s1  }
0x3d: {  	s1 =	ssub.s32 @!p0 $0x0, s1;
	[sflag:s0] =	ssyncset.done @!p0 $0x0  }
0x3e: {  	[sflag:s0] =	ssyncadd.s32 @!p0 s1  }
0x3f: {  	[bflag:$0x3] =	sbarrier.arrive $0xFFFF  }
0x40: {  	_ =	shalt  }

</sc_bundles>
